<compile_context>
chip_gen: v7x
topology: tpu7x:2x2x1
jax: 0.10.2.dev20260603
libtpu: 0.0.44.dev20260713+nightly
codegen_flags: <defaults>
</compile_context>

<pallas_src>
import functools

import jax
import jax.numpy as jnp
from jax import lax
from jax.experimental import pallas as pl
from jax.experimental.pallas import tpu as pltpu
from jax.experimental.pallas import tpu_sc as plsc

N = 10000
C_IN = 128
C_OUT = 128
KV = 27
E = 324000
EPK = E // KV

CHUNK = 128
CPK = 94
EPK_PAD = CPK * CHUNK
NCH = KV * CPK

NC = 2
NS = 16
NW = NC * NS
NJ = 80
HJ = NJ // 2
NCHP = NW * NJ

ACC_ROWS = 10240
RPT = ACC_ROWS // NS


def _matmul_body(x_ref, w_ref, y_ref):
    y_ref[0] = jnp.dot(x_ref[...], w_ref[0],
                       preferred_element_type=jnp.float32)


def _all_offset_matmul(x, W):
    return pl.pallas_call(
        _matmul_body,
        grid=(KV,),
        in_specs=[
            pl.BlockSpec((N, C_IN), lambda k: (0, 0)),
            pl.BlockSpec((1, C_IN, C_OUT), lambda k: (k, 0, 0)),
        ],
        out_specs=pl.BlockSpec((1, N, C_OUT), lambda k: (k, 0, 0)),
        out_shape=jax.ShapeDtypeStruct((KV, N, C_OUT), jnp.float32),
    )(x, W)


def _combine_body(a_ref, b_ref, o_ref):
    o_ref[...] = a_ref[...] + b_ref[...]


def _combine(p0, p1):
    rb = 2000
    return pl.pallas_call(
        _combine_body,
        grid=(N // rb,),
        in_specs=[
            pl.BlockSpec((rb, C_OUT), lambda r: (r, 0)),
            pl.BlockSpec((rb, C_OUT), lambda r: (r, 0)),
        ],
        out_specs=pl.BlockSpec((rb, C_OUT), lambda r: (r, 0)),
        out_shape=jax.ShapeDtypeStruct((N, C_OUT), jnp.float32),
    )(p0, p1)


def _sc_gather_scatter(y_flat, src2d, dst2d):
    mesh = plsc.VectorSubcoreMesh(core_axis_name="c", subcore_axis_name="s")

    @functools.partial(
        pl.kernel,
        mesh=mesh,
        out_type=jax.ShapeDtypeStruct((NC * ACC_ROWS, C_OUT), jnp.float32),
        scratch_types=[
            pltpu.VMEM((HJ, CHUNK), jnp.int32),
            pltpu.VMEM((HJ, CHUNK), jnp.int32),
            pltpu.VMEM((CHUNK, C_OUT), jnp.float32),
            pltpu.VMEM((CHUNK, C_OUT), jnp.float32),
            pltpu.VMEM_SHARED((ACC_ROWS, C_OUT), jnp.float32),
            pltpu.SemaphoreType.DMA,
            pltpu.SemaphoreType.DMA,
        ],
    )
    def sc_kernel(y_hbm, src_hbm, dst_hbm, out_hbm,
                  idx_s, idx_d, rows0, rows1, acc, ss0, ss1):
        cid = lax.axis_index("c")
        sid = lax.axis_index("s")
        tid = cid * NS + sid

        z16 = jnp.zeros((16,), jnp.float32)

        @pl.loop(0, CHUNK)
        def _(r):
            @pl.loop(0, C_OUT // 16)
            def _(c):
                rows0[r, pl.ds(c * 16, 16)] = z16

        @pl.loop(0, RPT // CHUNK)
        def _(b):
            pltpu.sync_copy(rows0,
                            acc.at[pl.ds(sid * RPT + b * CHUNK, CHUNK)])
        plsc.subcore_barrier()

        def gather(buf, j):
            pltpu.sync_copy(y_hbm.at[idx_s.at[j]], buf)

        def scatter_start(buf, j, sem):
            pltpu.async_copy(buf, acc.at[idx_d.at[j]], sem, add=True)

        def scatter_wait(buf, j, sem):
            pltpu.make_async_copy(buf, acc.at[idx_d.at[j]], sem).wait()

        for p in range(NJ // HJ):
            base = tid * NJ + p * HJ
            pltpu.sync_copy(src_hbm.at[pl.ds(base, HJ)], idx_s)
            pltpu.sync_copy(dst_hbm.at[pl.ds(base, HJ)], idx_d)

            gather(rows0, 0)
            scatter_start(rows0, 0, ss0)
            gather(rows1, 1)
            scatter_start(rows1, 1, ss1)

            @pl.loop(1, HJ // 2)
            def _(i):
                m = i * 2
                scatter_wait(rows0, m, ss0)
                gather(rows0, m)
                scatter_start(rows0, m, ss0)
                scatter_wait(rows1, m + 1, ss1)
                gather(rows1, m + 1)
                scatter_start(rows1, m + 1, ss1)

            scatter_wait(rows0, 0, ss0)
            scatter_wait(rows1, 1, ss1)

        plsc.subcore_barrier()
        pltpu.sync_copy(
            acc.at[pl.ds(sid * RPT, RPT)],
            out_hbm.at[pl.ds(cid * ACC_ROWS + sid * RPT, RPT)])

    return sc_kernel(y_flat, src2d, dst2d)


def kernel(x, W, edge_index):
    src = edge_index[0].reshape(KV, EPK)
    dst = edge_index[1].reshape(KV, EPK)
    pad = EPK_PAD - EPK
    offs = (jnp.arange(KV, dtype=jnp.int32) * N)[:, None]
    src_pad = jnp.broadcast_to(jnp.arange(pad, dtype=jnp.int32), (KV, pad))
    src_adj = (jnp.concatenate([src, src_pad], axis=1)
               + offs).reshape(NCH, CHUNK)
    dst_p = jnp.pad(dst, ((0, 0), (0, pad)),
                    constant_values=N).reshape(NCH, CHUNK)
    row_pad = NCHP - NCH
    lane = jnp.arange(CHUNK, dtype=jnp.int32)
    src2d = jnp.concatenate(
        [src_adj, jnp.broadcast_to(lane, (row_pad, CHUNK))], axis=0)
    dst2d = jnp.concatenate(
        [dst_p, jnp.broadcast_to(N + lane, (row_pad, CHUNK))], axis=0)
    dst2d = jnp.where(dst2d == N, N + lane[None, :], dst2d)

    y = _all_offset_matmul(x.astype(jnp.bfloat16),
                           W.astype(jnp.bfloat16)).reshape(KV * N, C_OUT)
    part = _sc_gather_scatter(y, src2d, dst2d)
    return _combine(part[:N], part[ACC_ROWS:ACC_ROWS + N])

# --- scband reference (transcript-rebuilt; emitter-appended) ---
"""Pipeline reference for scband-conv3d-42279658062071 (READ-ONLY COPY).

The authoritative reference and input builder live on the scoring server;
editing this copy changes nothing except your own understanding.
"""

import math
import jax, jax.numpy as jnp
import numpy as np

N = 10000
C_IN = 128
C_OUT = 128
KV = 27  # 3x3x3 kernel volume
E = 324000  # 27 * 12000 kernel-map pairs


def setup_inputs(seed: int = 0) -> dict:
    key = jax.random.key(seed)
    k1, k2, k3 = jax.random.split(key, 3)
    x = jax.random.normal(k1, (N, C_IN), dtype=jnp.float32)
    # Precomputed sparse-conv kernel map: for each of the 27 kernel offsets,
    # E//KV (input_voxel, output_voxel) pairs, concatenated along axis 1.
    edge_index = jax.random.randint(k2, (2, E), 0, N, dtype=jnp.int32)
    std = 1.0 / math.sqrt(C_IN * KV)
    W = jax.random.uniform(k3, (KV, C_IN, C_OUT), dtype=jnp.float32, minval=-std, maxval=std)
    return {"x": x, "W": W, "edge_index": edge_index}


def reference(x, W, edge_index):
    # Faithful gather-GEMM-scatter formulation of submanifold sparse Conv3d
    # (torchsparse F.conv3d with stride=1, kernel_size=3, bias=False):
    # out[dst] += x[src] @ W[k] for every kernel-map pair under offset k.
    n = x.shape[0]
    kv = W.shape[0]
    c_out = W.shape[2]
    e_per = edge_index.shape[1] // kv
    out = jnp.zeros((n, c_out), dtype=x.dtype)
    for k in range(kv):
        pairs = edge_index[:, k * e_per:(k + 1) * e_per]
        src = pairs[0]
        dst = pairs[1]
        msg = jnp.take(x, src, axis=0) @ W[k]
        out = out.at[dst].add(msg)
    return out

if __name__ == "__main__":
    import jax
    _d = setup_inputs()
    print(jax.jit(kernel)(*tuple(_d.values())))

</pallas_src>

<mosaic_0001>
#map = affine_map<(d0, d1) -> (0, 0)>
module attributes {stable_mosaic.version = 14 : i64} {
  func.func @sc_kernel(%arg0: i32, %arg1: i32, %arg2: memref<270000x128xf32, #tpu.memory_space<hbm>>, %arg3: memref<2560x128xi32, #tpu.memory_space<hbm>>, %arg4: memref<2560x128xi32, #tpu.memory_space<hbm>>, %arg5: memref<20480x128xf32, #tpu.memory_space<hbm>>, %arg6: memref<40x128xi32, #tpu.memory_space<vmem>>, %arg7: memref<40x128xi32, #tpu.memory_space<vmem>>, %arg8: memref<128x128xf32, #tpu.memory_space<vmem>>, %arg9: memref<128x128xf32, #tpu.memory_space<vmem>>, %arg10: memref<10240x128xf32, #tpu.memory_space<vmem_shared>>, %arg11: memref<!tpu.dma_semaphore, #tpu.memory_space<semaphore_mem>>, %arg12: memref<!tpu.dma_semaphore, #tpu.memory_space<semaphore_mem>>) attributes {dimension_semantics = [#tpu.dimension_semantics<core_parallel>, #tpu.dimension_semantics<subcore_parallel>], iteration_bounds = array<i64: 2, 16>, scalar_prefetch = 0 : i64, scratch_operands = 7 : i64, tpu.core_type = #tpu.core_type<sc_vector_subcore>, window_params = [{transform_indices = #map}, {transform_indices = #map}, {transform_indices = #map}, {transform_indices = #map}]} {
    %mul3A = arith.constant 16 : i32
    %mul3A_0 = arith.muli %arg0, %mul3A : i32
    %add3A = arith.addi %mul3A_0, %arg1 : i32
    %broadcast_in_dim3A = arith.constant 0.000000e+00 : f32
    %broadcast_in_dim3A_1 = vector.broadcast %broadcast_in_dim3A : f32 to vector<16xf32>
    %scan3A = arith.constant 0 : i32
    %scan3A_2 = arith.constant 128 : i32
    %scan3A_3 = arith.addi %scan3A, %scan3A_2 : i32
    %scan3A_4 = arith.constant 1 : i32
    scf.for %scan3A_94 = %scan3A to %scan3A_3 step %scan3A_4  : i32 {
      %mul3A_95 = arith.constant 1 : i32
      %mul3A_96 = arith.muli %scan3A_94, %mul3A_95 : i32
      %add3A_97 = arith.constant 0 : i32
      %add3A_98 = arith.addi %add3A_97, %mul3A_96 : i32
      %scan3A_99 = arith.constant 0 : i32
      %scan3A_100 = arith.constant 8 : i32
      %scan3A_101 = arith.addi %scan3A_99, %scan3A_100 : i32
      %scan3A_102 = arith.constant 1 : i32
      scf.for %scan3A_104 = %scan3A_99 to %scan3A_101 step %scan3A_102  : i32 {
        %mul3A_105 = arith.constant 1 : i32
        %mul3A_106 = arith.muli %scan3A_104, %mul3A_105 : i32
        %add3A_107 = arith.constant 0 : i32
        %add3A_108 = arith.addi %add3A_107, %mul3A_106 : i32
        %mul3A_109 = arith.constant 16 : i32
        %mul3A_110 = arith.muli %add3A_108, %mul3A_109 : i32
        %swap3A = arith.index_cast %add3A_98 : i32 to index
        %swap3A_111 = arith.index_cast %mul3A_110 : i32 to index
        %swap3A_112 = tpu.vector_load %arg8[%swap3A, %swap3A_111] {strides = array<i32>} : memref<128x128xf32, #tpu.memory_space<vmem>>, vector<1x16xf32>,
        %swap3A_113 = vector.shape_cast %swap3A_112 : vector<1x16xf32> to vector<16xf32>
        %swap3A_114 = vector.shape_cast %broadcast_in_dim3A_1 : vector<16xf32> to vector<1x16xf32>
        tpu.vector_store %arg8[%swap3A, %swap3A_111], %swap3A_114 {strides = array<i32>} : memref<128x128xf32, #tpu.memory_space<vmem>>, vector<1x16xf32>,
      }
      %scan3A_103 = arith.constant 8 : i32
    }
    %scan3A_5 = arith.constant 128 : i32
    %scan3A_6 = arith.constant 0 : i32
    %scan3A_7 = arith.constant 5 : i32
    %scan3A_8 = arith.addi %scan3A_6, %scan3A_7 : i32
    %scan3A_9 = arith.constant 1 : i32
    scf.for %scan3A_94 = %scan3A_6 to %scan3A_8 step %scan3A_9  : i32 {
      %mul3A_95 = arith.constant 1 : i32
      %mul3A_96 = arith.muli %scan3A_94, %mul3A_95 : i32
      %add3A_97 = arith.constant 0 : i32
      %add3A_98 = arith.addi %add3A_97, %mul3A_96 : i32
      %mul3A_99 = arith.constant 640 : i32
      %mul3A_100 = arith.muli %arg1, %mul3A_99 : i32
      %mul3A_101 = arith.constant 128 : i32
      %mul3A_102 = arith.muli %add3A_98, %mul3A_101 : i32
      %add3A_103 = arith.addi %mul3A_100, %mul3A_102 : i32
      "tpu.region"() ({
        %run_scoped3A_104 = tpu.sem_alloc : memref<!tpu.dma_semaphore, #tpu.memory_space<semaphore_mem>>
        %dma_start3A_105 = arith.constant 0 : i32
        %dma_start3A_106 = tpu.memref_slice %arg10[%add3A_103, %dma_start3A_105] : memref<10240x128xf32, #tpu.memory_space<vmem_shared>> -> memref<128x128xf32, #tpu.memory_space<vmem_shared>>
        %dma_start3A_107 = arith.constant 0 : i32
        %dma_start3A_108 = tpu.memref_slice %arg10[%add3A_103, %dma_start3A_107] : memref<10240x128xf32, #tpu.memory_space<vmem_shared>> -> memref<128x128xf32, #tpu.memory_space<vmem_shared>>
        tpu.enqueue_dma source(%arg8 : memref<128x128xf32, #tpu.memory_space<vmem>>) target(%dma_start3A_108 : memref<128x128xf32, #tpu.memory_space<vmem_shared>>) target_semaphore(%run_scoped3A_104 : memref<!tpu.dma_semaphore, #tpu.memory_space<semaphore_mem>>)
        %dma_wait3A_109 = arith.constant 0 : i32
        %dma_wait3A_110 = tpu.memref_slice %arg10[%add3A_103, %dma_wait3A_109] : memref<10240x128xf32, #tpu.memory_space<vmem_shared>> -> memref<128x128xf32, #tpu.memory_space<vmem_shared>>
        %dma_wait3A_111 = arith.constant 0 : i32
        %dma_wait3A_112 = tpu.memref_slice %arg10[%add3A_103, %dma_wait3A_111] : memref<10240x128xf32, #tpu.memory_space<vmem_shared>> -> memref<128x128xf32, #tpu.memory_space<vmem_shared>>
        tpu.wait_dma2 semaphore(%run_scoped3A_104 : memref<!tpu.dma_semaphore, #tpu.memory_space<semaphore_mem>>) src(%arg8 : memref<128x128xf32, #tpu.memory_space<vmem>>) dst(%dma_wait3A_112 : memref<128x128xf32, #tpu.memory_space<vmem_shared>>)
        tpu.yield
      }) : () -> ()
    }
    %scan3A_10 = arith.constant 5 : i32
    %barrier3A = arith.constant 0 : index
    tpu.barrier barrier_id(%barrier3A)
    %mul3A_11 = arith.constant 80 : i32
    %mul3A_12 = arith.muli %add3A, %mul3A_11 : i32
    %add3A_13 = arith.constant 0 : i32
    %add3A_14 = arith.addi %mul3A_12, %add3A_13 : i32
    "tpu.region"() ({
      %run_scoped3A_94 = tpu.sem_alloc : memref<!tpu.dma_semaphore, #tpu.memory_space<semaphore_mem>>
      %dma_start3A_95 = arith.constant 0 : i32
      %dma_start3A_96 = tpu.memref_slice %arg3[%add3A_14, %dma_start3A_95] : memref<2560x128xi32, #tpu.memory_space<hbm>> -> memref<40x128xi32, #tpu.memory_space<hbm>>
      %dma_start3A_97 = arith.constant 0 : i32
      %dma_start3A_98 = tpu.memref_slice %arg3[%add3A_14, %dma_start3A_97] : memref<2560x128xi32, #tpu.memory_space<hbm>> -> memref<40x128xi32, #tpu.memory_space<hbm>>
      tpu.enqueue_dma source(%dma_start3A_98 : memref<40x128xi32, #tpu.memory_space<hbm>>) target(%arg6 : memref<40x128xi32, #tpu.memory_space<vmem>>) target_semaphore(%run_scoped3A_94 : memref<!tpu.dma_semaphore, #tpu.memory_space<semaphore_mem>>)
      %dma_wait3A_99 = arith.constant 0 : i32
      %dma_wait3A_100 = tpu.memref_slice %arg3[%add3A_14, %dma_wait3A_99] : memref<2560x128xi32, #tpu.memory_space<hbm>> -> memref<40x128xi32, #tpu.memory_space<hbm>>
      %dma_wait3A_101 = arith.constant 0 : i32
      %dma_wait3A_102 = tpu.memref_slice %arg3[%add3A_14, %dma_wait3A_101] : memref<2560x128xi32, #tpu.memory_space<hbm>> -> memref<40x128xi32, #tpu.memory_space<hbm>>
      tpu.wait_dma2 semaphore(%run_scoped3A_94 : memref<!tpu.dma_semaphore, #tpu.memory_space<semaphore_mem>>) src(%dma_wait3A_102 : memref<40x128xi32, #tpu.memory_space<hbm>>) dst(%arg6 : memref<40x128xi32, #tpu.memory_space<vmem>>)
      tpu.yield
    }) : () -> ()
    "tpu.region"() ({
      %run_scoped3A_94 = tpu.sem_alloc : memref<!tpu.dma_semaphore, #tpu.memory_space<semaphore_mem>>
      %dma_start3A_95 = arith.constant 0 : i32
      %dma_start3A_96 = tpu.memref_slice %arg4[%add3A_14, %dma_start3A_95] : memref<2560x128xi32, #tpu.memory_space<hbm>> -> memref<40x128xi32, #tpu.memory_space<hbm>>
      %dma_start3A_97 = arith.constant 0 : i32
      %dma_start3A_98 = tpu.memref_slice %arg4[%add3A_14, %dma_start3A_97] : memref<2560x128xi32, #tpu.memory_space<hbm>> -> memref<40x128xi32, #tpu.memory_space<hbm>>
      tpu.enqueue_dma source(%dma_start3A_98 : memref<40x128xi32, #tpu.memory_space<hbm>>) target(%arg7 : memref<40x128xi32, #tpu.memory_space<vmem>>) target_semaphore(%run_scoped3A_94 : memref<!tpu.dma_semaphore, #tpu.memory_space<semaphore_mem>>)
      %dma_wait3A_99 = arith.constant 0 : i32
      %dma_wait3A_100 = tpu.memref_slice %arg4[%add3A_14, %dma_wait3A_99] : memref<2560x128xi32, #tpu.memory_space<hbm>> -> memref<40x128xi32, #tpu.memory_space<hbm>>
      %dma_wait3A_101 = arith.constant 0 : i32
      %dma_wait3A_102 = tpu.memref_slice %arg4[%add3A_14, %dma_wait3A_101] : memref<2560x128xi32, #tpu.memory_space<hbm>> -> memref<40x128xi32, #tpu.memory_space<hbm>>
      tpu.wait_dma2 semaphore(%run_scoped3A_94 : memref<!tpu.dma_semaphore, #tpu.memory_space<semaphore_mem>>) src(%dma_wait3A_102 : memref<40x128xi32, #tpu.memory_space<hbm>>) dst(%arg7 : memref<40x128xi32, #tpu.memory_space<vmem>>)
      tpu.yield
    }) : () -> ()
    %run_scoped3A = arith.constant 0 : i32
    "tpu.region"() ({
      %run_scoped3A_94 = tpu.sem_alloc : memref<!tpu.dma_semaphore, #tpu.memory_space<semaphore_mem>>
      %dma_start3A_95 = arith.constant 0 : i32
      %dma_start3A_96 = tpu.memref_slice %arg6[%run_scoped3A, %dma_start3A_95] : memref<40x128xi32, #tpu.memory_space<vmem>> -> memref<1x128xi32, #tpu.memory_space<vmem>>
      %dma_start3A_97 = tpu.memref_squeeze %dma_start3A_96 : memref<1x128xi32, #tpu.memory_space<vmem>> -> memref<128xi32, #tpu.memory_space<vmem>>
      %dma_start3A_98 = arith.constant 0 : i32
      %dma_start3A_99 = arith.constant 0 : i32
      %dma_start3A_100 = tpu.memref_slice %arg2[%dma_start3A_98, %dma_start3A_99] : memref<270000x128xf32, #tpu.memory_space<hbm>> -> memref<270000x128xf32, #tpu.memory_space<hbm>>
      tpu.enqueue_indirect_dma source(%dma_start3A_100 : memref<270000x128xf32, #tpu.memory_space<hbm>>) target(%arg8 : memref<128x128xf32, #tpu.memory_space<vmem>>) offsets(%dma_start3A_97 : memref<128xi32, #tpu.memory_space<vmem>>) semaphore(%run_scoped3A_94 : memref<!tpu.dma_semaphore, #tpu.memory_space<semaphore_mem>>)
      %dma_wait3A_101 = arith.constant 0 : i32
      %dma_wait3A_102 = tpu.memref_slice %arg6[%run_scoped3A, %dma_wait3A_101] : memref<40x128xi32, #tpu.memory_space<vmem>> -> memref<1x128xi32, #tpu.memory_space<vmem>>
      %dma_wait3A_103 = tpu.memref_squeeze %dma_wait3A_102 : memref<1x128xi32, #tpu.memory_space<vmem>> -> memref<128xi32, #tpu.memory_space<vmem>>
      %dma_wait3A_104 = arith.constant 0 : i32
      %dma_wait3A_105 = arith.constant 0 : i32
      %dma_wait3A_106 = tpu.memref_slice %arg2[%dma_wait3A_104, %dma_wait3A_105] : memref<270000x128xf32, #tpu.memory_space<hbm>> -> memref<270000x128xf32, #tpu.memory_space<hbm>>
      tpu.wait_indirect_dma semaphore(%run_scoped3A_94 : memref<!tpu.dma_semaphore, #tpu.memory_space<semaphore_mem>>) src(%dma_wait3A_106 : memref<270000x128xf32, #tpu.memory_space<hbm>>) dst(%arg8 : memref<128x128xf32, #tpu.memory_space<vmem>>)
      tpu.yield
    }) : () -> ()
    %dma_start3A = arith.constant 0 : i32
    %dma_start3A_15 = arith.constant 0 : i32
    %dma_start3A_16 = tpu.memref_slice %arg7[%dma_start3A, %dma_start3A_15] : memref<40x128xi32, #tpu.memory_space<vmem>> -> memref<1x128xi32, #tpu.memory_space<vmem>>
    %dma_start3A_17 = tpu.memref_squeeze %dma_start3A_16 : memref<1x128xi32, #tpu.memory_space<vmem>> -> memref<128xi32, #tpu.memory_space<vmem>>
    %dma_start3A_18 = arith.constant 0 : i32
    %dma_start3A_19 = arith.constant 0 : i32
    %dma_start3A_20 = tpu.memref_slice %arg10[%dma_start3A_18, %dma_start3A_19] : memref<10240x128xf32, #tpu.memory_space<vmem_shared>> -> memref<10240x128xf32, #tpu.memory_space<vmem_shared>>
    tpu.enqueue_indirect_dma source(%arg8 : memref<128x128xf32, #tpu.memory_space<vmem>>) target(%dma_start3A_20 : memref<10240x128xf32, #tpu.memory_space<vmem_shared>>) offsets(%dma_start3A_17 : memref<128xi32, #tpu.memory_space<vmem>>) semaphore(%arg11 : memref<!tpu.dma_semaphore, #tpu.memory_space<semaphore_mem>>) {add = true}
    %run_scoped3A_21 = arith.constant 1 : i32
    "tpu.region"() ({
      %run_scoped3A_94 = tpu.sem_alloc : memref<!tpu.dma_semaphore, #tpu.memory_space<semaphore_mem>>
      %dma_start3A_95 = arith.constant 0 : i32
      %dma_start3A_96 = tpu.memref_slice %arg6[%run_scoped3A_21, %dma_start3A_95] : memref<40x128xi32, #tpu.memory_space<vmem>> -> memref<1x128xi32, #tpu.memory_space<vmem>>
      %dma_start3A_97 = tpu.memref_squeeze %dma_start3A_96 : memref<1x128xi32, #tpu.memory_space<vmem>> -> memref<128xi32, #tpu.memory_space<vmem>>
      %dma_start3A_98 = arith.constant 0 : i32
      %dma_start3A_99 = arith.constant 0 : i32
      %dma_start3A_100 = tpu.memref_slice %arg2[%dma_start3A_98, %dma_start3A_99] : memref<270000x128xf32, #tpu.memory_space<hbm>> -> memref<270000x128xf32, #tpu.memory_space<hbm>>
      tpu.enqueue_indirect_dma source(%dma_start3A_100 : memref<270000x128xf32, #tpu.memory_space<hbm>>) target(%arg9 : memref<128x128xf32, #tpu.memory_space<vmem>>) offsets(%dma_start3A_97 : memref<128xi32, #tpu.memory_space<vmem>>) semaphore(%run_scoped3A_94 : memref<!tpu.dma_semaphore, #tpu.memory_space<semaphore_mem>>)
      %dma_wait3A_101 = arith.constant 0 : i32
      %dma_wait3A_102 = tpu.memref_slice %arg6[%run_scoped3A_21, %dma_wait3A_101] : memref<40x128xi32, #tpu.memory_space<vmem>> -> memref<1x128xi32, #tpu.memory_space<vmem>>
      %dma_wait3A_103 = tpu.memref_squeeze %dma_wait3A_102 : memref<1x128xi32, #tpu.memory_space<vmem>> -> memref<128xi32, #tpu.memory_space<vmem>>
      %dma_wait3A_104 = arith.constant 0 : i32
      %dma_wait3A_105 = arith.constant 0 : i32
      %dma_wait3A_106 = tpu.memref_slice %arg2[%dma_wait3A_104, %dma_wait3A_105] : memref<270000x128xf32, #tpu.memory_space<hbm>> -> memref<270000x128xf32, #tpu.memory_space<hbm>>
      tpu.wait_indirect_dma semaphore(%run_scoped3A_94 : memref<!tpu.dma_semaphore, #tpu.memory_space<semaphore_mem>>) src(%dma_wait3A_106 : memref<270000x128xf32, #tpu.memory_space<hbm>>) dst(%arg9 : memref<128x128xf32, #tpu.memory_space<vmem>>)
      tpu.yield
    }) : () -> ()
    %dma_start3A_22 = arith.constant 1 : i32
    %dma_start3A_23 = arith.constant 0 : i32
    %dma_start3A_24 = tpu.memref_slice %arg7[%dma_start3A_22, %dma_start3A_23] : memref<40x128xi32, #tpu.memory_space<vmem>> -> memref<1x128xi32, #tpu.memory_space<vmem>>
    %dma_start3A_25 = tpu.memref_squeeze %dma_start3A_24 : memref<1x128xi32, #tpu.memory_space<vmem>> -> memref<128xi32, #tpu.memory_space<vmem>>
    %dma_start3A_26 = arith.constant 0 : i32
    %dma_start3A_27 = arith.constant 0 : i32
    %dma_start3A_28 = tpu.memref_slice %arg10[%dma_start3A_26, %dma_start3A_27] : memref<10240x128xf32, #tpu.memory_space<vmem_shared>> -> memref<10240x128xf32, #tpu.memory_space<vmem_shared>>
    tpu.enqueue_indirect_dma source(%arg9 : memref<128x128xf32, #tpu.memory_space<vmem>>) target(%dma_start3A_28 : memref<10240x128xf32, #tpu.memory_space<vmem_shared>>) offsets(%dma_start3A_25 : memref<128xi32, #tpu.memory_space<vmem>>) semaphore(%arg12 : memref<!tpu.dma_semaphore, #tpu.memory_space<semaphore_mem>>) {add = true}
    %scan3A_29 = arith.constant 0 : i32
    %scan3A_30 = arith.constant 19 : i32
    %scan3A_31 = arith.addi %scan3A_29, %scan3A_30 : i32
    %scan3A_32 = arith.constant 1 : i32
    scf.for %scan3A_94 = %scan3A_29 to %scan3A_31 step %scan3A_32  : i32 {
      %mul3A_95 = arith.constant 1 : i32
      %mul3A_96 = arith.muli %scan3A_94, %mul3A_95 : i32
      %add3A_97 = arith.constant 1 : i32
      %add3A_98 = arith.addi %add3A_97, %mul3A_96 : i32
      %mul3A_99 = arith.constant 2 : i32
      %mul3A_100 = arith.muli %add3A_98, %mul3A_99 : i32
      %dma_wait3A_101 = arith.constant 0 : i32
      %dma_wait3A_102 = tpu.memref_slice %arg7[%mul3A_100, %dma_wait3A_101] : memref<40x128xi32, #tpu.memory_space<vmem>> -> memref<1x128xi32, #tpu.memory_space<vmem>>
      %dma_wait3A_103 = tpu.memref_squeeze %dma_wait3A_102 : memref<1x128xi32, #tpu.memory_space<vmem>> -> memref<128xi32, #tpu.memory_space<vmem>>
      %dma_wait3A_104 = arith.constant 0 : i32
      %dma_wait3A_105 = arith.constant 0 : i32
      %dma_wait3A_106 = tpu.memref_slice %arg10[%dma_wait3A_104, %dma_wait3A_105] : memref<10240x128xf32, #tpu.memory_space<vmem_shared>> -> memref<10240x128xf32, #tpu.memory_space<vmem_shared>>
      tpu.wait_indirect_dma semaphore(%arg11 : memref<!tpu.dma_semaphore, #tpu.memory_space<semaphore_mem>>) src(%arg8 : memref<128x128xf32, #tpu.memory_space<vmem>>) dst(%dma_wait3A_106 : memref<10240x128xf32, #tpu.memory_space<vmem_shared>>)
      "tpu.region"() ({
        %run_scoped3A_131 = tpu.sem_alloc : memref<!tpu.dma_semaphore, #tpu.memory_space<semaphore_mem>>
        %dma_start3A_132 = arith.constant 0 : i32
        %dma_start3A_133 = tpu.memref_slice %arg6[%mul3A_100, %dma_start3A_132] : memref<40x128xi32, #tpu.memory_space<vmem>> -> memref<1x128xi32, #tpu.memory_space<vmem>>
        %dma_start3A_134 = tpu.memref_squeeze %dma_start3A_133 : memref<1x128xi32, #tpu.memory_space<vmem>> -> memref<128xi32, #tpu.memory_space<vmem>>
        %dma_start3A_135 = arith.constant 0 : i32
        %dma_start3A_136 = arith.constant 0 : i32
        %dma_start3A_137 = tpu.memref_slice %arg2[%dma_start3A_135, %dma_start3A_136] : memref<270000x128xf32, #tpu.memory_space<hbm>> -> memref<270000x128xf32, #tpu.memory_space<hbm>>
        tpu.enqueue_indirect_dma source(%dma_start3A_137 : memref<270000x128xf32, #tpu.memory_space<hbm>>) target(%arg8 : memref<128x128xf32, #tpu.memory_space<vmem>>) offsets(%dma_start3A_134 : memref<128xi32, #tpu.memory_space<vmem>>) semaphore(%run_scoped3A_131 : memref<!tpu.dma_semaphore, #tpu.memory_space<semaphore_mem>>)
        %dma_wait3A_138 = arith.constant 0 : i32
        %dma_wait3A_139 = tpu.memref_slice %arg6[%mul3A_100, %dma_wait3A_138] : memref<40x128xi32, #tpu.memory_space<vmem>> -> memref<1x128xi32, #tpu.memory_space<vmem>>
        %dma_wait3A_140 = tpu.memref_squeeze %dma_wait3A_139 : memref<1x128xi32, #tpu.memory_space<vmem>> -> memref<128xi32, #tpu.memory_space<vmem>>
        %dma_wait3A_141 = arith.constant 0 : i32
        %dma_wait3A_142 = arith.constant 0 : i32
        %dma_wait3A_143 = tpu.memref_slice %arg2[%dma_wait3A_141, %dma_wait3A_142] : memref<270000x128xf32, #tpu.memory_space<hbm>> -> memref<270000x128xf32, #tpu.memory_space<hbm>>
        tpu.wait_indirect_dma semaphore(%run_scoped3A_131 : memref<!tpu.dma_semaphore, #tpu.memory_space<semaphore_mem>>) src(%dma_wait3A_143 : memref<270000x128xf32, #tpu.memory_space<hbm>>) dst(%arg8 : memref<128x128xf32, #tpu.memory_space<vmem>>)
        tpu.yield
      }) : () -> ()
      %dma_start3A_107 = arith.constant 0 : i32
      %dma_start3A_108 = tpu.memref_slice %arg7[%mul3A_100, %dma_start3A_107] : memref<40x128xi32, #tpu.memory_space<vmem>> -> memref<1x128xi32, #tpu.memory_space<vmem>>
      %dma_start3A_109 = tpu.memref_squeeze %dma_start3A_108 : memref<1x128xi32, #tpu.memory_space<vmem>> -> memref<128xi32, #tpu.memory_space<vmem>>
      %dma_start3A_110 = arith.constant 0 : i32
      %dma_start3A_111 = arith.constant 0 : i32
      %dma_start3A_112 = tpu.memref_slice %arg10[%dma_start3A_110, %dma_start3A_111] : memref<10240x128xf32, #tpu.memory_space<vmem_shared>> -> memref<10240x128xf32, #tpu.memory_space<vmem_shared>>
      tpu.enqueue_indirect_dma source(%arg8 : memref<128x128xf32, #tpu.memory_space<vmem>>) target(%dma_start3A_112 : memref<10240x128xf32, #tpu.memory_space<vmem_shared>>) offsets(%dma_start3A_109 : memref<128xi32, #tpu.memory_space<vmem>>) semaphore(%arg11 : memref<!tpu.dma_semaphore, #tpu.memory_space<semaphore_mem>>) {add = true}
      %add3A_113 = arith.constant 1 : i32
      %add3A_114 = arith.addi %mul3A_100, %add3A_113 : i32
      %dma_wait3A_115 = arith.constant 0 : i32
      %dma_wait3A_116 = tpu.memref_slice %arg7[%add3A_114, %dma_wait3A_115] : memref<40x128xi32, #tpu.memory_space<vmem>> -> memref<1x128xi32, #tpu.memory_space<vmem>>
      %dma_wait3A_117 = tpu.memref_squeeze %dma_wait3A_116 : memref<1x128xi32, #tpu.memory_space<vmem>> -> memref<128xi32, #tpu.memory_space<vmem>>
      %dma_wait3A_118 = arith.constant 0 : i32
      %dma_wait3A_119 = arith.constant 0 : i32
      %dma_wait3A_120 = tpu.memref_slice %arg10[%dma_wait3A_118, %dma_wait3A_119] : memref<10240x128xf32, #tpu.memory_space<vmem_shared>> -> memref<10240x128xf32, #tpu.memory_space<vmem_shared>>
      tpu.wait_indirect_dma semaphore(%arg12 : memref<!tpu.dma_semaphore, #tpu.memory_space<semaphore_mem>>) src(%arg9 : memref<128x128xf32, #tpu.memory_space<vmem>>) dst(%dma_wait3A_120 : memref<10240x128xf32, #tpu.memory_space<vmem_shared>>)
      %add3A_121 = arith.constant 1 : i32
      %add3A_122 = arith.addi %mul3A_100, %add3A_121 : i32
      "tpu.region"() ({
        %run_scoped3A_131 = tpu.sem_alloc : memref<!tpu.dma_semaphore, #tpu.memory_space<semaphore_mem>>
        %dma_start3A_132 = arith.constant 0 : i32
        %dma_start3A_133 = tpu.memref_slice %arg6[%add3A_122, %dma_start3A_132] : memref<40x128xi32, #tpu.memory_space<vmem>> -> memref<1x128xi32, #tpu.memory_space<vmem>>
        %dma_start3A_134 = tpu.memref_squeeze %dma_start3A_133 : memref<1x128xi32, #tpu.memory_space<vmem>> -> memref<128xi32, #tpu.memory_space<vmem>>
        %dma_start3A_135 = arith.constant 0 : i32
        %dma_start3A_136 = arith.constant 0 : i32
        %dma_start3A_137 = tpu.memref_slice %arg2[%dma_start3A_135, %dma_start3A_136] : memref<270000x128xf32, #tpu.memory_space<hbm>> -> memref<270000x128xf32, #tpu.memory_space<hbm>>
        tpu.enqueue_indirect_dma source(%dma_start3A_137 : memref<270000x128xf32, #tpu.memory_space<hbm>>) target(%arg9 : memref<128x128xf32, #tpu.memory_space<vmem>>) offsets(%dma_start3A_134 : memref<128xi32, #tpu.memory_space<vmem>>) semaphore(%run_scoped3A_131 : memref<!tpu.dma_semaphore, #tpu.memory_space<semaphore_mem>>)
        %dma_wait3A_138 = arith.constant 0 : i32
        %dma_wait3A_139 = tpu.memref_slice %arg6[%add3A_122, %dma_wait3A_138] : memref<40x128xi32, #tpu.memory_space<vmem>> -> memref<1x128xi32, #tpu.memory_space<vmem>>
        %dma_wait3A_140 = tpu.memref_squeeze %dma_wait3A_139 : memref<1x128xi32, #tpu.memory_space<vmem>> -> memref<128xi32, #tpu.memory_space<vmem>>
        %dma_wait3A_141 = arith.constant 0 : i32
        %dma_wait3A_142 = arith.constant 0 : i32
        %dma_wait3A_143 = tpu.memref_slice %arg2[%dma_wait3A_141, %dma_wait3A_142] : memref<270000x128xf32, #tpu.memory_space<hbm>> -> memref<270000x128xf32, #tpu.memory_space<hbm>>
        tpu.wait_indirect_dma semaphore(%run_scoped3A_131 : memref<!tpu.dma_semaphore, #tpu.memory_space<semaphore_mem>>) src(%dma_wait3A_143 : memref<270000x128xf32, #tpu.memory_space<hbm>>) dst(%arg9 : memref<128x128xf32, #tpu.memory_space<vmem>>)
        tpu.yield
      }) : () -> ()
      %add3A_123 = arith.constant 1 : i32
      %add3A_124 = arith.addi %mul3A_100, %add3A_123 : i32
      %dma_start3A_125 = arith.constant 0 : i32
      %dma_start3A_126 = tpu.memref_slice %arg7[%add3A_124, %dma_start3A_125] : memref<40x128xi32, #tpu.memory_space<vmem>> -> memref<1x128xi32, #tpu.memory_space<vmem>>
      %dma_start3A_127 = tpu.memref_squeeze %dma_start3A_126 : memref<1x128xi32, #tpu.memory_space<vmem>> -> memref<128xi32, #tpu.memory_space<vmem>>
      %dma_start3A_128 = arith.constant 0 : i32
      %dma_start3A_129 = arith.constant 0 : i32
      %dma_start3A_130 = tpu.memref_slice %arg10[%dma_start3A_128, %dma_start3A_129] : memref<10240x128xf32, #tpu.memory_space<vmem_shared>> -> memref<10240x128xf32, #tpu.memory_space<vmem_shared>>
      tpu.enqueue_indirect_dma source(%arg9 : memref<128x128xf32, #tpu.memory_space<vmem>>) target(%dma_start3A_130 : memref<10240x128xf32, #tpu.memory_space<vmem_shared>>) offsets(%dma_start3A_127 : memref<128xi32, #tpu.memory_space<vmem>>) semaphore(%arg12 : memref<!tpu.dma_semaphore, #tpu.memory_space<semaphore_mem>>) {add = true}
    }
    %scan3A_33 = arith.constant 19 : i32
    %dma_wait3A = arith.constant 0 : i32
    %dma_wait3A_34 = arith.constant 0 : i32
    %dma_wait3A_35 = tpu.memref_slice %arg7[%dma_wait3A, %dma_wait3A_34] : memref<40x128xi32, #tpu.memory_space<vmem>> -> memref<1x128xi32, #tpu.memory_space<vmem>>
    %dma_wait3A_36 = tpu.memref_squeeze %dma_wait3A_35 : memref<1x128xi32, #tpu.memory_space<vmem>> -> memref<128xi32, #tpu.memory_space<vmem>>
    %dma_wait3A_37 = arith.constant 0 : i32
    %dma_wait3A_38 = arith.constant 0 : i32
    %dma_wait3A_39 = tpu.memref_slice %arg10[%dma_wait3A_37, %dma_wait3A_38] : memref<10240x128xf32, #tpu.memory_space<vmem_shared>> -> memref<10240x128xf32, #tpu.memory_space<vmem_shared>>
    tpu.wait_indirect_dma semaphore(%arg11 : memref<!tpu.dma_semaphore, #tpu.memory_space<semaphore_mem>>) src(%arg8 : memref<128x128xf32, #tpu.memory_space<vmem>>) dst(%dma_wait3A_39 : memref<10240x128xf32, #tpu.memory_space<vmem_shared>>)
    %dma_wait3A_40 = arith.constant 1 : i32
    %dma_wait3A_41 = arith.constant 0 : i32
    %dma_wait3A_42 = tpu.memref_slice %arg7[%dma_wait3A_40, %dma_wait3A_41] : memref<40x128xi32, #tpu.memory_space<vmem>> -> memref<1x128xi32, #tpu.memory_space<vmem>>
    %dma_wait3A_43 = tpu.memref_squeeze %dma_wait3A_42 : memref<1x128xi32, #tpu.memory_space<vmem>> -> memref<128xi32, #tpu.memory_space<vmem>>
    %dma_wait3A_44 = arith.constant 0 : i32
    %dma_wait3A_45 = arith.constant 0 : i32
    %dma_wait3A_46 = tpu.memref_slice %arg10[%dma_wait3A_44, %dma_wait3A_45] : memref<10240x128xf32, #tpu.memory_space<vmem_shared>> -> memref<10240x128xf32, #tpu.memory_space<vmem_shared>>
    tpu.wait_indirect_dma semaphore(%arg12 : memref<!tpu.dma_semaphore, #tpu.memory_space<semaphore_mem>>) src(%arg9 : memref<128x128xf32, #tpu.memory_space<vmem>>) dst(%dma_wait3A_46 : memref<10240x128xf32, #tpu.memory_space<vmem_shared>>)
    %mul3A_47 = arith.constant 80 : i32
    %mul3A_48 = arith.muli %add3A, %mul3A_47 : i32
    %add3A_49 = arith.constant 40 : i32
    %add3A_50 = arith.addi %mul3A_48, %add3A_49 : i32
    "tpu.region"() ({
      %run_scoped3A_94 = tpu.sem_alloc : memref<!tpu.dma_semaphore, #tpu.memory_space<semaphore_mem>>
      %dma_start3A_95 = arith.constant 0 : i32
      %dma_start3A_96 = tpu.memref_slice %arg3[%add3A_50, %dma_start3A_95] : memref<2560x128xi32, #tpu.memory_space<hbm>> -> memref<40x128xi32, #tpu.memory_space<hbm>>
      %dma_start3A_97 = arith.constant 0 : i32
      %dma_start3A_98 = tpu.memref_slice %arg3[%add3A_50, %dma_start3A_97] : memref<2560x128xi32, #tpu.memory_space<hbm>> -> memref<40x128xi32, #tpu.memory_space<hbm>>
      tpu.enqueue_dma source(%dma_start3A_98 : memref<40x128xi32, #tpu.memory_space<hbm>>) target(%arg6 : memref<40x128xi32, #tpu.memory_space<vmem>>) target_semaphore(%run_scoped3A_94 : memref<!tpu.dma_semaphore, #tpu.memory_space<semaphore_mem>>)
      %dma_wait3A_99 = arith.constant 0 : i32
      %dma_wait3A_100 = tpu.memref_slice %arg3[%add3A_50, %dma_wait3A_99] : memref<2560x128xi32, #tpu.memory_space<hbm>> -> memref<40x128xi32, #tpu.memory_space<hbm>>
      %dma_wait3A_101 = arith.constant 0 : i32
      %dma_wait3A_102 = tpu.memref_slice %arg3[%add3A_50, %dma_wait3A_101] : memref<2560x128xi32, #tpu.memory_space<hbm>> -> memref<40x128xi32, #tpu.memory_space<hbm>>
      tpu.wait_dma2 semaphore(%run_scoped3A_94 : memref<!tpu.dma_semaphore, #tpu.memory_space<semaphore_mem>>) src(%dma_wait3A_102 : memref<40x128xi32, #tpu.memory_space<hbm>>) dst(%arg6 : memref<40x128xi32, #tpu.memory_space<vmem>>)
      tpu.yield
    }) : () -> ()
    "tpu.region"() ({
      %run_scoped3A_94 = tpu.sem_alloc : memref<!tpu.dma_semaphore, #tpu.memory_space<semaphore_mem>>
      %dma_start3A_95 = arith.constant 0 : i32
      %dma_start3A_96 = tpu.memref_slice %arg4[%add3A_50, %dma_start3A_95] : memref<2560x128xi32, #tpu.memory_space<hbm>> -> memref<40x128xi32, #tpu.memory_space<hbm>>
      %dma_start3A_97 = arith.constant 0 : i32
      %dma_start3A_98 = tpu.memref_slice %arg4[%add3A_50, %dma_start3A_97] : memref<2560x128xi32, #tpu.memory_space<hbm>> -> memref<40x128xi32, #tpu.memory_space<hbm>>
      tpu.enqueue_dma source(%dma_start3A_98 : memref<40x128xi32, #tpu.memory_space<hbm>>) target(%arg7 : memref<40x128xi32, #tpu.memory_space<vmem>>) target_semaphore(%run_scoped3A_94 : memref<!tpu.dma_semaphore, #tpu.memory_space<semaphore_mem>>)
      %dma_wait3A_99 = arith.constant 0 : i32
      %dma_wait3A_100 = tpu.memref_slice %arg4[%add3A_50, %dma_wait3A_99] : memref<2560x128xi32, #tpu.memory_space<hbm>> -> memref<40x128xi32, #tpu.memory_space<hbm>>
      %dma_wait3A_101 = arith.constant 0 : i32
      %dma_wait3A_102 = tpu.memref_slice %arg4[%add3A_50, %dma_wait3A_101] : memref<2560x128xi32, #tpu.memory_space<hbm>> -> memref<40x128xi32, #tpu.memory_space<hbm>>
      tpu.wait_dma2 semaphore(%run_scoped3A_94 : memref<!tpu.dma_semaphore, #tpu.memory_space<semaphore_mem>>) src(%dma_wait3A_102 : memref<40x128xi32, #tpu.memory_space<hbm>>) dst(%arg7 : memref<40x128xi32, #tpu.memory_space<vmem>>)
      tpu.yield
    }) : () -> ()
    %run_scoped3A_51 = arith.constant 0 : i32
    "tpu.region"() ({
      %run_scoped3A_94 = tpu.sem_alloc : memref<!tpu.dma_semaphore, #tpu.memory_space<semaphore_mem>>
      %dma_start3A_95 = arith.constant 0 : i32
      %dma_start3A_96 = tpu.memref_slice %arg6[%run_scoped3A_51, %dma_start3A_95] : memref<40x128xi32, #tpu.memory_space<vmem>> -> memref<1x128xi32, #tpu.memory_space<vmem>>
      %dma_start3A_97 = tpu.memref_squeeze %dma_start3A_96 : memref<1x128xi32, #tpu.memory_space<vmem>> -> memref<128xi32, #tpu.memory_space<vmem>>
      %dma_start3A_98 = arith.constant 0 : i32
      %dma_start3A_99 = arith.constant 0 : i32
      %dma_start3A_100 = tpu.memref_slice %arg2[%dma_start3A_98, %dma_start3A_99] : memref<270000x128xf32, #tpu.memory_space<hbm>> -> memref<270000x128xf32, #tpu.memory_space<hbm>>
      tpu.enqueue_indirect_dma source(%dma_start3A_100 : memref<270000x128xf32, #tpu.memory_space<hbm>>) target(%arg8 : memref<128x128xf32, #tpu.memory_space<vmem>>) offsets(%dma_start3A_97 : memref<128xi32, #tpu.memory_space<vmem>>) semaphore(%run_scoped3A_94 : memref<!tpu.dma_semaphore, #tpu.memory_space<semaphore_mem>>)
      %dma_wait3A_101 = arith.constant 0 : i32
      %dma_wait3A_102 = tpu.memref_slice %arg6[%run_scoped3A_51, %dma_wait3A_101] : memref<40x128xi32, #tpu.memory_space<vmem>> -> memref<1x128xi32, #tpu.memory_space<vmem>>
      %dma_wait3A_103 = tpu.memref_squeeze %dma_wait3A_102 : memref<1x128xi32, #tpu.memory_space<vmem>> -> memref<128xi32, #tpu.memory_space<vmem>>
      %dma_wait3A_104 = arith.constant 0 : i32
      %dma_wait3A_105 = arith.constant 0 : i32
      %dma_wait3A_106 = tpu.memref_slice %arg2[%dma_wait3A_104, %dma_wait3A_105] : memref<270000x128xf32, #tpu.memory_space<hbm>> -> memref<270000x128xf32, #tpu.memory_space<hbm>>
      tpu.wait_indirect_dma semaphore(%run_scoped3A_94 : memref<!tpu.dma_semaphore, #tpu.memory_space<semaphore_mem>>) src(%dma_wait3A_106 : memref<270000x128xf32, #tpu.memory_space<hbm>>) dst(%arg8 : memref<128x128xf32, #tpu.memory_space<vmem>>)
      tpu.yield
    }) : () -> ()
    %dma_start3A_52 = arith.constant 0 : i32
    %dma_start3A_53 = arith.constant 0 : i32
    %dma_start3A_54 = tpu.memref_slice %arg7[%dma_start3A_52, %dma_start3A_53] : memref<40x128xi32, #tpu.memory_space<vmem>> -> memref<1x128xi32, #tpu.memory_space<vmem>>
    %dma_start3A_55 = tpu.memref_squeeze %dma_start3A_54 : memref<1x128xi32, #tpu.memory_space<vmem>> -> memref<128xi32, #tpu.memory_space<vmem>>
    %dma_start3A_56 = arith.constant 0 : i32
    %dma_start3A_57 = arith.constant 0 : i32
    %dma_start3A_58 = tpu.memref_slice %arg10[%dma_start3A_56, %dma_start3A_57] : memref<10240x128xf32, #tpu.memory_space<vmem_shared>> -> memref<10240x128xf32, #tpu.memory_space<vmem_shared>>
    tpu.enqueue_indirect_dma source(%arg8 : memref<128x128xf32, #tpu.memory_space<vmem>>) target(%dma_start3A_58 : memref<10240x128xf32, #tpu.memory_space<vmem_shared>>) offsets(%dma_start3A_55 : memref<128xi32, #tpu.memory_space<vmem>>) semaphore(%arg11 : memref<!tpu.dma_semaphore, #tpu.memory_space<semaphore_mem>>) {add = true}
    %run_scoped3A_59 = arith.constant 1 : i32
    "tpu.region"() ({
      %run_scoped3A_94 = tpu.sem_alloc : memref<!tpu.dma_semaphore, #tpu.memory_space<semaphore_mem>>
      %dma_start3A_95 = arith.constant 0 : i32
      %dma_start3A_96 = tpu.memref_slice %arg6[%run_scoped3A_59, %dma_start3A_95] : memref<40x128xi32, #tpu.memory_space<vmem>> -> memref<1x128xi32, #tpu.memory_space<vmem>>
      %dma_start3A_97 = tpu.memref_squeeze %dma_start3A_96 : memref<1x128xi32, #tpu.memory_space<vmem>> -> memref<128xi32, #tpu.memory_space<vmem>>
      %dma_start3A_98 = arith.constant 0 : i32
      %dma_start3A_99 = arith.constant 0 : i32
      %dma_start3A_100 = tpu.memref_slice %arg2[%dma_start3A_98, %dma_start3A_99] : memref<270000x128xf32, #tpu.memory_space<hbm>> -> memref<270000x128xf32, #tpu.memory_space<hbm>>
      tpu.enqueue_indirect_dma source(%dma_start3A_100 : memref<270000x128xf32, #tpu.memory_space<hbm>>) target(%arg9 : memref<128x128xf32, #tpu.memory_space<vmem>>) offsets(%dma_start3A_97 : memref<128xi32, #tpu.memory_space<vmem>>) semaphore(%run_scoped3A_94 : memref<!tpu.dma_semaphore, #tpu.memory_space<semaphore_mem>>)
      %dma_wait3A_101 = arith.constant 0 : i32
      %dma_wait3A_102 = tpu.memref_slice %arg6[%run_scoped3A_59, %dma_wait3A_101] : memref<40x128xi32, #tpu.memory_space<vmem>> -> memref<1x128xi32, #tpu.memory_space<vmem>>
      %dma_wait3A_103 = tpu.memref_squeeze %dma_wait3A_102 : memref<1x128xi32, #tpu.memory_space<vmem>> -> memref<128xi32, #tpu.memory_space<vmem>>
      %dma_wait3A_104 = arith.constant 0 : i32
      %dma_wait3A_105 = arith.constant 0 : i32
      %dma_wait3A_106 = tpu.memref_slice %arg2[%dma_wait3A_104, %dma_wait3A_105] : memref<270000x128xf32, #tpu.memory_space<hbm>> -> memref<270000x128xf32, #tpu.memory_space<hbm>>
      tpu.wait_indirect_dma semaphore(%run_scoped3A_94 : memref<!tpu.dma_semaphore, #tpu.memory_space<semaphore_mem>>) src(%dma_wait3A_106 : memref<270000x128xf32, #tpu.memory_space<hbm>>) dst(%arg9 : memref<128x128xf32, #tpu.memory_space<vmem>>)
      tpu.yield
    }) : () -> ()
    %dma_start3A_60 = arith.constant 1 : i32
    %dma_start3A_61 = arith.constant 0 : i32
    %dma_start3A_62 = tpu.memref_slice %arg7[%dma_start3A_60, %dma_start3A_61] : memref<40x128xi32, #tpu.memory_space<vmem>> -> memref<1x128xi32, #tpu.memory_space<vmem>>
    %dma_start3A_63 = tpu.memref_squeeze %dma_start3A_62 : memref<1x128xi32, #tpu.memory_space<vmem>> -> memref<128xi32, #tpu.memory_space<vmem>>
    %dma_start3A_64 = arith.constant 0 : i32
    %dma_start3A_65 = arith.constant 0 : i32
    %dma_start3A_66 = tpu.memref_slice %arg10[%dma_start3A_64, %dma_start3A_65] : memref<10240x128xf32, #tpu.memory_space<vmem_shared>> -> memref<10240x128xf32, #tpu.memory_space<vmem_shared>>
    tpu.enqueue_indirect_dma source(%arg9 : memref<128x128xf32, #tpu.memory_space<vmem>>) target(%dma_start3A_66 : memref<10240x128xf32, #tpu.memory_space<vmem_shared>>) offsets(%dma_start3A_63 : memref<128xi32, #tpu.memory_space<vmem>>) semaphore(%arg12 : memref<!tpu.dma_semaphore, #tpu.memory_space<semaphore_mem>>) {add = true}
    %scan3A_67 = arith.constant 0 : i32
    %scan3A_68 = arith.constant 19 : i32
    %scan3A_69 = arith.addi %scan3A_67, %scan3A_68 : i32
    %scan3A_70 = arith.constant 1 : i32
    scf.for %scan3A_94 = %scan3A_67 to %scan3A_69 step %scan3A_70  : i32 {
      %mul3A_95 = arith.constant 1 : i32
      %mul3A_96 = arith.muli %scan3A_94, %mul3A_95 : i32
      %add3A_97 = arith.constant 1 : i32
      %add3A_98 = arith.addi %add3A_97, %mul3A_96 : i32
      %mul3A_99 = arith.constant 2 : i32
      %mul3A_100 = arith.muli %add3A_98, %mul3A_99 : i32
      %dma_wait3A_101 = arith.constant 0 : i32
      %dma_wait3A_102 = tpu.memref_slice %arg7[%mul3A_100, %dma_wait3A_101] : memref<40x128xi32, #tpu.memory_space<vmem>> -> memref<1x128xi32, #tpu.memory_space<vmem>>
      %dma_wait3A_103 = tpu.memref_squeeze %dma_wait3A_102 : memref<1x128xi32, #tpu.memory_space<vmem>> -> memref<128xi32, #tpu.memory_space<vmem>>
      %dma_wait3A_104 = arith.constant 0 : i32
      %dma_wait3A_105 = arith.constant 0 : i32
      %dma_wait3A_106 = tpu.memref_slice %arg10[%dma_wait3A_104, %dma_wait3A_105] : memref<10240x128xf32, #tpu.memory_space<vmem_shared>> -> memref<10240x128xf32, #tpu.memory_space<vmem_shared>>
      tpu.wait_indirect_dma semaphore(%arg11 : memref<!tpu.dma_semaphore, #tpu.memory_space<semaphore_mem>>) src(%arg8 : memref<128x128xf32, #tpu.memory_space<vmem>>) dst(%dma_wait3A_106 : memref<10240x128xf32, #tpu.memory_space<vmem_shared>>)
      "tpu.region"() ({
        %run_scoped3A_131 = tpu.sem_alloc : memref<!tpu.dma_semaphore, #tpu.memory_space<semaphore_mem>>
        %dma_start3A_132 = arith.constant 0 : i32
        %dma_start3A_133 = tpu.memref_slice %arg6[%mul3A_100, %dma_start3A_132] : memref<40x128xi32, #tpu.memory_space<vmem>> -> memref<1x128xi32, #tpu.memory_space<vmem>>
        %dma_start3A_134 = tpu.memref_squeeze %dma_start3A_133 : memref<1x128xi32, #tpu.memory_space<vmem>> -> memref<128xi32, #tpu.memory_space<vmem>>
        %dma_start3A_135 = arith.constant 0 : i32
        %dma_start3A_136 = arith.constant 0 : i32
        %dma_start3A_137 = tpu.memref_slice %arg2[%dma_start3A_135, %dma_start3A_136] : memref<270000x128xf32, #tpu.memory_space<hbm>> -> memref<270000x128xf32, #tpu.memory_space<hbm>>
        tpu.enqueue_indirect_dma source(%dma_start3A_137 : memref<270000x128xf32, #tpu.memory_space<hbm>>) target(%arg8 : memref<128x128xf32, #tpu.memory_space<vmem>>) offsets(%dma_start3A_134 : memref<128xi32, #tpu.memory_space<vmem>>) semaphore(%run_scoped3A_131 : memref<!tpu.dma_semaphore, #tpu.memory_space<semaphore_mem>>)
        %dma_wait3A_138 = arith.constant 0 : i32
        %dma_wait3A_139 = tpu.memref_slice %arg6[%mul3A_100, %dma_wait3A_138] : memref<40x128xi32, #tpu.memory_space<vmem>> -> memref<1x128xi32, #tpu.memory_space<vmem>>
        %dma_wait3A_140 = tpu.memref_squeeze %dma_wait3A_139 : memref<1x128xi32, #tpu.memory_space<vmem>> -> memref<128xi32, #tpu.memory_space<vmem>>
        %dma_wait3A_141 = arith.constant 0 : i32
        %dma_wait3A_142 = arith.constant 0 : i32
        %dma_wait3A_143 = tpu.memref_slice %arg2[%dma_wait3A_141, %dma_wait3A_142] : memref<270000x128xf32, #tpu.memory_space<hbm>> -> memref<270000x128xf32, #tpu.memory_space<hbm>>
        tpu.wait_indirect_dma semaphore(%run_scoped3A_131 : memref<!tpu.dma_semaphore, #tpu.memory_space<semaphore_mem>>) src(%dma_wait3A_143 : memref<270000x128xf32, #tpu.memory_space<hbm>>) dst(%arg8 : memref<128x128xf32, #tpu.memory_space<vmem>>)
        tpu.yield
      }) : () -> ()
      %dma_start3A_107 = arith.constant 0 : i32
      %dma_start3A_108 = tpu.memref_slice %arg7[%mul3A_100, %dma_start3A_107] : memref<40x128xi32, #tpu.memory_space<vmem>> -> memref<1x128xi32, #tpu.memory_space<vmem>>
      %dma_start3A_109 = tpu.memref_squeeze %dma_start3A_108 : memref<1x128xi32, #tpu.memory_space<vmem>> -> memref<128xi32, #tpu.memory_space<vmem>>
      %dma_start3A_110 = arith.constant 0 : i32
      %dma_start3A_111 = arith.constant 0 : i32
      %dma_start3A_112 = tpu.memref_slice %arg10[%dma_start3A_110, %dma_start3A_111] : memref<10240x128xf32, #tpu.memory_space<vmem_shared>> -> memref<10240x128xf32, #tpu.memory_space<vmem_shared>>
      tpu.enqueue_indirect_dma source(%arg8 : memref<128x128xf32, #tpu.memory_space<vmem>>) target(%dma_start3A_112 : memref<10240x128xf32, #tpu.memory_space<vmem_shared>>) offsets(%dma_start3A_109 : memref<128xi32, #tpu.memory_space<vmem>>) semaphore(%arg11 : memref<!tpu.dma_semaphore, #tpu.memory_space<semaphore_mem>>) {add = true}
      %add3A_113 = arith.constant 1 : i32
      %add3A_114 = arith.addi %mul3A_100, %add3A_113 : i32
      %dma_wait3A_115 = arith.constant 0 : i32
      %dma_wait3A_116 = tpu.memref_slice %arg7[%add3A_114, %dma_wait3A_115] : memref<40x128xi32, #tpu.memory_space<vmem>> -> memref<1x128xi32, #tpu.memory_space<vmem>>
      %dma_wait3A_117 = tpu.memref_squeeze %dma_wait3A_116 : memref<1x128xi32, #tpu.memory_space<vmem>> -> memref<128xi32, #tpu.memory_space<vmem>>
      %dma_wait3A_118 = arith.constant 0 : i32
      %dma_wait3A_119 = arith.constant 0 : i32
      %dma_wait3A_120 = tpu.memref_slice %arg10[%dma_wait3A_118, %dma_wait3A_119] : memref<10240x128xf32, #tpu.memory_space<vmem_shared>> -> memref<10240x128xf32, #tpu.memory_space<vmem_shared>>
      tpu.wait_indirect_dma semaphore(%arg12 : memref<!tpu.dma_semaphore, #tpu.memory_space<semaphore_mem>>) src(%arg9 : memref<128x128xf32, #tpu.memory_space<vmem>>) dst(%dma_wait3A_120 : memref<10240x128xf32, #tpu.memory_space<vmem_shared>>)
      %add3A_121 = arith.constant 1 : i32
      %add3A_122 = arith.addi %mul3A_100, %add3A_121 : i32
      "tpu.region"() ({
        %run_scoped3A_131 = tpu.sem_alloc : memref<!tpu.dma_semaphore, #tpu.memory_space<semaphore_mem>>
        %dma_start3A_132 = arith.constant 0 : i32
        %dma_start3A_133 = tpu.memref_slice %arg6[%add3A_122, %dma_start3A_132] : memref<40x128xi32, #tpu.memory_space<vmem>> -> memref<1x128xi32, #tpu.memory_space<vmem>>
        %dma_start3A_134 = tpu.memref_squeeze %dma_start3A_133 : memref<1x128xi32, #tpu.memory_space<vmem>> -> memref<128xi32, #tpu.memory_space<vmem>>
        %dma_start3A_135 = arith.constant 0 : i32
        %dma_start3A_136 = arith.constant 0 : i32
        %dma_start3A_137 = tpu.memref_slice %arg2[%dma_start3A_135, %dma_start3A_136] : memref<270000x128xf32, #tpu.memory_space<hbm>> -> memref<270000x128xf32, #tpu.memory_space<hbm>>
        tpu.enqueue_indirect_dma source(%dma_start3A_137 : memref<270000x128xf32, #tpu.memory_space<hbm>>) target(%arg9 : memref<128x128xf32, #tpu.memory_space<vmem>>) offsets(%dma_start3A_134 : memref<128xi32, #tpu.memory_space<vmem>>) semaphore(%run_scoped3A_131 : memref<!tpu.dma_semaphore, #tpu.memory_space<semaphore_mem>>)
        %dma_wait3A_138 = arith.constant 0 : i32
        %dma_wait3A_139 = tpu.memref_slice %arg6[%add3A_122, %dma_wait3A_138] : memref<40x128xi32, #tpu.memory_space<vmem>> -> memref<1x128xi32, #tpu.memory_space<vmem>>
        %dma_wait3A_140 = tpu.memref_squeeze %dma_wait3A_139 : memref<1x128xi32, #tpu.memory_space<vmem>> -> memref<128xi32, #tpu.memory_space<vmem>>
        %dma_wait3A_141 = arith.constant 0 : i32
        %dma_wait3A_142 = arith.constant 0 : i32
        %dma_wait3A_143 = tpu.memref_slice %arg2[%dma_wait3A_141, %dma_wait3A_142] : memref<270000x128xf32, #tpu.memory_space<hbm>> -> memref<270000x128xf32, #tpu.memory_space<hbm>>
        tpu.wait_indirect_dma semaphore(%run_scoped3A_131 : memref<!tpu.dma_semaphore, #tpu.memory_space<semaphore_mem>>) src(%dma_wait3A_143 : memref<270000x128xf32, #tpu.memory_space<hbm>>) dst(%arg9 : memref<128x128xf32, #tpu.memory_space<vmem>>)
        tpu.yield
      }) : () -> ()
      %add3A_123 = arith.constant 1 : i32
      %add3A_124 = arith.addi %mul3A_100, %add3A_123 : i32
      %dma_start3A_125 = arith.constant 0 : i32
      %dma_start3A_126 = tpu.memref_slice %arg7[%add3A_124, %dma_start3A_125] : memref<40x128xi32, #tpu.memory_space<vmem>> -> memref<1x128xi32, #tpu.memory_space<vmem>>
      %dma_start3A_127 = tpu.memref_squeeze %dma_start3A_126 : memref<1x128xi32, #tpu.memory_space<vmem>> -> memref<128xi32, #tpu.memory_space<vmem>>
      %dma_start3A_128 = arith.constant 0 : i32
      %dma_start3A_129 = arith.constant 0 : i32
      %dma_start3A_130 = tpu.memref_slice %arg10[%dma_start3A_128, %dma_start3A_129] : memref<10240x128xf32, #tpu.memory_space<vmem_shared>> -> memref<10240x128xf32, #tpu.memory_space<vmem_shared>>
      tpu.enqueue_indirect_dma source(%arg9 : memref<128x128xf32, #tpu.memory_space<vmem>>) target(%dma_start3A_130 : memref<10240x128xf32, #tpu.memory_space<vmem_shared>>) offsets(%dma_start3A_127 : memref<128xi32, #tpu.memory_space<vmem>>) semaphore(%arg12 : memref<!tpu.dma_semaphore, #tpu.memory_space<semaphore_mem>>) {add = true}
    }
    %scan3A_71 = arith.constant 19 : i32
    %dma_wait3A_72 = arith.constant 0 : i32
    %dma_wait3A_73 = arith.constant 0 : i32
    %dma_wait3A_74 = tpu.memref_slice %arg7[%dma_wait3A_72, %dma_wait3A_73] : memref<40x128xi32, #tpu.memory_space<vmem>> -> memref<1x128xi32, #tpu.memory_space<vmem>>
    %dma_wait3A_75 = tpu.memref_squeeze %dma_wait3A_74 : memref<1x128xi32, #tpu.memory_space<vmem>> -> memref<128xi32, #tpu.memory_space<vmem>>
    %dma_wait3A_76 = arith.constant 0 : i32
    %dma_wait3A_77 = arith.constant 0 : i32
    %dma_wait3A_78 = tpu.memref_slice %arg10[%dma_wait3A_76, %dma_wait3A_77] : memref<10240x128xf32, #tpu.memory_space<vmem_shared>> -> memref<10240x128xf32, #tpu.memory_space<vmem_shared>>
    tpu.wait_indirect_dma semaphore(%arg11 : memref<!tpu.dma_semaphore, #tpu.memory_space<semaphore_mem>>) src(%arg8 : memref<128x128xf32, #tpu.memory_space<vmem>>) dst(%dma_wait3A_78 : memref<10240x128xf32, #tpu.memory_space<vmem_shared>>)
    %dma_wait3A_79 = arith.constant 1 : i32
    %dma_wait3A_80 = arith.constant 0 : i32
    %dma_wait3A_81 = tpu.memref_slice %arg7[%dma_wait3A_79, %dma_wait3A_80] : memref<40x128xi32, #tpu.memory_space<vmem>> -> memref<1x128xi32, #tpu.memory_space<vmem>>
    %dma_wait3A_82 = tpu.memref_squeeze %dma_wait3A_81 : memref<1x128xi32, #tpu.memory_space<vmem>> -> memref<128xi32, #tpu.memory_space<vmem>>
    %dma_wait3A_83 = arith.constant 0 : i32
    %dma_wait3A_84 = arith.constant 0 : i32
    %dma_wait3A_85 = tpu.memref_slice %arg10[%dma_wait3A_83, %dma_wait3A_84] : memref<10240x128xf32, #tpu.memory_space<vmem_shared>> -> memref<10240x128xf32, #tpu.memory_space<vmem_shared>>
    tpu.wait_indirect_dma semaphore(%arg12 : memref<!tpu.dma_semaphore, #tpu.memory_space<semaphore_mem>>) src(%arg9 : memref<128x128xf32, #tpu.memory_space<vmem>>) dst(%dma_wait3A_85 : memref<10240x128xf32, #tpu.memory_space<vmem_shared>>)
    %barrier3A_86 = arith.constant 0 : index
    tpu.barrier barrier_id(%barrier3A_86)
    %mul3A_87 = arith.constant 640 : i32
    %mul3A_88 = arith.muli %arg1, %mul3A_87 : i32
    %mul3A_89 = arith.constant 10240 : i32
    %mul3A_90 = arith.muli %arg0, %mul3A_89 : i32
    %mul3A_91 = arith.constant 640 : i32
    %mul3A_92 = arith.muli %arg1, %mul3A_91 : i32
    %add3A_93 = arith.addi %mul3A_90, %mul3A_92 : i32
    "tpu.region"() ({
      %run_scoped3A_94 = tpu.sem_alloc : memref<!tpu.dma_semaphore, #tpu.memory_space<semaphore_mem>>
      %dma_start3A_95 = arith.constant 0 : i32
      %dma_start3A_96 = tpu.memref_slice %arg5[%add3A_93, %dma_start3A_95] : memref<20480x128xf32, #tpu.memory_space<hbm>> -> memref<640x128xf32, #tpu.memory_space<hbm>>
      %dma_start3A_97 = arith.constant 0 : i32
      %dma_start3A_98 = tpu.memref_slice %arg10[%mul3A_88, %dma_start3A_97] : memref<10240x128xf32, #tpu.memory_space<vmem_shared>> -> memref<640x128xf32, #tpu.memory_space<vmem_shared>>
      tpu.enqueue_dma source(%dma_start3A_98 : memref<640x128xf32, #tpu.memory_space<vmem_shared>>) target(%dma_start3A_96 : memref<640x128xf32, #tpu.memory_space<hbm>>) target_semaphore(%run_scoped3A_94 : memref<!tpu.dma_semaphore, #tpu.memory_space<semaphore_mem>>)
      %dma_wait3A_99 = arith.constant 0 : i32
      %dma_wait3A_100 = tpu.memref_slice %arg5[%add3A_93, %dma_wait3A_99] : memref<20480x128xf32, #tpu.memory_space<hbm>> -> memref<640x128xf32, #tpu.memory_space<hbm>>
      %dma_wait3A_101 = arith.constant 0 : i32
      %dma_wait3A_102 = tpu.memref_slice %arg10[%mul3A_88, %dma_wait3A_101] : memref<10240x128xf32, #tpu.memory_space<vmem_shared>> -> memref<640x128xf32, #tpu.memory_space<vmem_shared>>
      tpu.wait_dma2 semaphore(%run_scoped3A_94 : memref<!tpu.dma_semaphore, #tpu.memory_space<semaphore_mem>>) src(%dma_wait3A_102 : memref<640x128xf32, #tpu.memory_space<vmem_shared>>) dst(%dma_wait3A_100 : memref<640x128xf32, #tpu.memory_space<hbm>>)
      tpu.yield
    }) : () -> ()
    return
  }
}

module attributes {stable_mosaic.version = 14 : i64} {
  func.func @_matmul_body(%arg0: i32, %arg1: memref<10000x128xbf16, #tpu.memory_space<vmem>>, %arg2: memref<1x128x128xbf16, #tpu.memory_space<vmem>>, %arg3: memref<1x10000x128xf32, #tpu.memory_space<vmem>>) attributes {dimension_semantics = [#tpu.dimension_semantics<arbitrary>], iteration_bounds = array<i64: 27>, scalar_prefetch = 0 : i64, scratch_operands = 0 : i64, tpu.core_type = #tpu.core_type<tc>, window_params = [{pipeline_mode = #tpu.pipeline_mode<synchronous>, transform_indices = @transform_0, window_bounds = array<i64: 10000, 128>}, {transform_indices = @transform_1, window_bounds = array<i64: 1, 128, 128>}, {transform_indices = @transform_2, window_bounds = array<i64: 1, 10000, 128>}]} {
    %get3A = arith.constant 0 : index
    %get3A_0 = arith.constant 0 : index
    %get3A_1 = vector.load %arg1[%get3A, %get3A_0] : memref<10000x128xbf16, #tpu.memory_space<vmem>>, vector<10000x128xbf16>
    %get3A_2 = arith.constant 0 : index
    %get3A_3 = arith.constant 0 : index
    %get3A_4 = arith.constant 0 : index
    %get3A_5 = vector.load %arg2[%get3A_2, %get3A_3, %get3A_4] : memref<1x128x128xbf16, #tpu.memory_space<vmem>>, vector<1x128x128xbf16>
    %get3A_6 = vector.shape_cast %get3A_5 : vector<1x128x128xbf16> to vector<128x128xbf16>
    %dot_general3A = arith.constant dense<0.000000e+00> : vector<10000x128xf32>
    %dot_general3A_7 = tpu.matmul %get3A_1, %get3A_6, %dot_general3A {dimension_numbers = #tpu.dot_dimension_numbers<[1], [0], [0], [1], [0, 0, 1, 1], [], []>, transpose_lhs_hint = false} : vector<10000x128xbf16>, vector<128x128xbf16>, vector<10000x128xf32> -> vector<10000x128xf32>
    %swap3A = arith.constant 0 : index
    %swap3A_8 = arith.constant 0 : index
    %swap3A_9 = arith.constant 0 : index
    %swap3A_10 = vector.load %arg3[%swap3A, %swap3A_8, %swap3A_9] : memref<1x10000x128xf32, #tpu.memory_space<vmem>>, vector<1x10000x128xf32>
    %swap3A_11 = vector.shape_cast %swap3A_10 : vector<1x10000x128xf32> to vector<10000x128xf32>
    %swap3A_12 = vector.shape_cast %dot_general3A_7 : vector<10000x128xf32> to vector<1x10000x128xf32>
    tpu.vector_store %arg3[%swap3A, %swap3A_8, %swap3A_9], %swap3A_12 {strides = array<i32>} : memref<1x10000x128xf32, #tpu.memory_space<vmem>>, vector<1x10000x128xf32>,
    return
  }
  func.func @transform_0(%arg0: i32) -> (i32, i32) {
    %c0_i32 = arith.constant 0 : i32
    %c0_i32_0 = arith.constant 0 : i32
    %c0_i32_1 = arith.constant 0 : i32
    return %c0_i32, %c0_i32_0 : i32, i32
  }
  func.func @transform_1(%arg0: i32) -> (i32, i32, i32) {
    %c0_i32 = arith.constant 0 : i32
    %c0_i32_0 = arith.constant 0 : i32
    %c0_i32_1 = arith.constant 0 : i32
    return %arg0, %c0_i32, %c0_i32_0 : i32, i32, i32
  }
  func.func @transform_2(%arg0: i32) -> (i32, i32, i32) {
    %c0_i32 = arith.constant 0 : i32
    %c0_i32_0 = arith.constant 0 : i32
    %c0_i32_1 = arith.constant 0 : i32
    return %arg0, %c0_i32, %c0_i32_0 : i32, i32, i32
  }
}

module attributes {stable_mosaic.version = 14 : i64} {
  func.func @_combine_body(%arg0: i32, %arg1: memref<2000x128xf32, #tpu.memory_space<vmem>>, %arg2: memref<2000x128xf32, #tpu.memory_space<vmem>>, %arg3: memref<2000x128xf32, #tpu.memory_space<vmem>>) attributes {dimension_semantics = [#tpu.dimension_semantics<arbitrary>], iteration_bounds = array<i64: 5>, scalar_prefetch = 0 : i64, scratch_operands = 0 : i64, tpu.core_type = #tpu.core_type<tc>, window_params = [{transform_indices = @transform_0, window_bounds = array<i64: 2000, 128>}, {transform_indices = @transform_1, window_bounds = array<i64: 2000, 128>}, {transform_indices = @transform_2, window_bounds = array<i64: 2000, 128>}]} {
    %get3A = arith.constant 0 : index
    %get3A_0 = arith.constant 0 : index
    %get3A_1 = vector.load %arg1[%get3A, %get3A_0] : memref<2000x128xf32, #tpu.memory_space<vmem>>, vector<2000x128xf32>
    %get3A_2 = arith.constant 0 : index
    %get3A_3 = arith.constant 0 : index
    %get3A_4 = vector.load %arg2[%get3A_2, %get3A_3] : memref<2000x128xf32, #tpu.memory_space<vmem>>, vector<2000x128xf32>
    %add3A = arith.addf %get3A_1, %get3A_4 : vector<2000x128xf32>
    %swap3A = arith.constant 0 : index
    %swap3A_5 = arith.constant 0 : index
    %swap3A_6 = vector.load %arg3[%swap3A, %swap3A_5] : memref<2000x128xf32, #tpu.memory_space<vmem>>, vector<2000x128xf32>
    tpu.vector_store %arg3[%swap3A, %swap3A_5], %add3A {strides = array<i32>} : memref<2000x128xf32, #tpu.memory_space<vmem>>, vector<2000x128xf32>,
    return
  }
  func.func @transform_0(%arg0: i32) -> (i32, i32) {
    %c0_i32 = arith.constant 0 : i32
    %c0_i32_0 = arith.constant 0 : i32
    return %arg0, %c0_i32 : i32, i32
  }
  func.func @transform_1(%arg0: i32) -> (i32, i32) {
    %c0_i32 = arith.constant 0 : i32
    %c0_i32_0 = arith.constant 0 : i32
    return %arg0, %c0_i32 : i32, i32
  }
  func.func @transform_2(%arg0: i32) -> (i32, i32) {
    %c0_i32 = arith.constant 0 : i32
    %c0_i32_0 = arith.constant 0 : i32
    return %arg0, %c0_i32 : i32, i32
  }
}

</mosaic_0001>

<sc_bundles>
// kernel: kernel.5.cloned.1.call-start
scs
__scs_entry_jumppad:
0x0: {  	(pc) =	sbr.rel $0x88, $3  }
0x1: {  	(tag) =	ssettag $0x0;
	lr =	simm.s32 $0x1  }
0x2: {  	[smem:$0x3F9E] =	sst lr;
	_ =	strace $0xD0000000  }
0x3: {  	_ = 	snop  }
0x4: {  	_ = 	snop  }
0x5: {  	_ = 	snop  }
0x6: {  	_ = 	snop  }
0x7: {  	_ = 	snop  }
__scs_overlays_trampoline_lowered:
0x8: {  	[smem:$0x3FAD] =	sst s0  }
0x9: {  	[smem:$0x3FAE] =	sst s1  }
0xa: {  	[smem:$0x3FAF] =	sst s2  }
0xb: {  	[smem:$0x3FB0] =	sst s3  }
0xc: {  	[smem:$0x3FB1] =	sst s4  }
0xd: {  	[smem:$0x3FB2] =	sst s5  }
0xe: {  	[smem:$0x3FB3] =	sst s6  }
0xf: {  	[smem:$0x3FB4] =	sst s7  }
0x10: {  	[smem:$0x3FB5] =	sst s8  }
0x11: {  	[smem:$0x3FB6] =	sst s9;
	s0 =	simm.s32 @!p0 $0x0  }
0x12: {  	s1 =	sld [smem:$0x3F9C];
	s0 =	simm.s32 @p0 $0x1  }
0x13: {  	[smem:$0x3FB7] =	sst s0;
	s0 =	simm.s32 @!p1 $0x0  }
0x14: {  	s2 =	sld [smem:$0x3F9B];
	s0 =	simm.s32 @p1 $0x1  }
0x15: {  	[smem:$0x3FB8] =	sst s0;
	s0 =	simm.s32 @!p2 $0x0  }
0x16: {  	s3 =	sld [smem:$0x3FDB];
	s0 =	simm.s32 @p2 $0x1  }
0x17: {  	s4 =	simm.s32 $0x1BF5;
	[smem:$0x3FBA] =	sst s0  }
0x18: {  	s0 =	sld [smem:$0x3F9D];
	_ =	swait.ge [sflag:s4], $0x0  }
0x19: {  	s7 =	sld [smem:$0x3F9E]  }
0x1a: {  	s8 =	sadd.s32 $0xFFFFE003, lr  }
0x1b: {  	s9 =	sadd.s32 $0xFFFFFEF7, lr;
	s5 =	simm.s32 $0xFFFFFFFF;
	p2 =	slt.u32 s8, $0xFFFFF086  }
0x1c: {  	p1 =	slt.u32 s9, $0xF7A;
	s5 =	simm.s32 @!p2 $0x0  }
0x1d: {  	s5 =	simm.s32 @p1 $0x1;
	p0 =	seq.s32 s7, s2  }
0x1e: {  	s7 =	smul.u32 @!p0 $0xF7A, s2;
	p2 =	seq.s32 @!p0 s5, $0x0  }
0x1f: {  	s9 =	smul.u32 $0xF7A, s1;
	s8 =	simm.s32 @!p0 $0x1BF5;
	p2 =	por !p2, p0  }
0x20: {  	[sflag:s8] =	ssyncset.s32 @!p0 $0xFFFFF086;
	s6 =	sadd.s32 @!p0 s3, s7;
	s7 =	simm.s32 @!p0 $0x108  }
0x21: {  	s3 =	sadd.s32 s3, s9;
	s6 =	sadd.s32 @!p0 $0x88, s6;
	s7 =	simm.s32 @p2 $0x1082  }
0x22: {  	[simem:s7], [sflag:s8] =	dma.local @!p0 [hbm:s6], $0xF7A  }
0x23: {  	s9 =	sor.u32 $0xD0000000, s2;
	s6 =	simm.s32 $0x108;
	_ =	swait.ge @!p0 [sflag:s8], $0x0  }
0x24: {  	s3 =	sadd.s32 $0x88, s3;
	s6 =	simm.s32 @!p1 $0x1082;
	[sflag:s4] =	ssyncset.s32 $0xFFFFF086  }
0x25: {  	[simem:s6], [sflag:s4] =	dma.local [hbm:s3], $0xF7A  }
0x26: {  	[smem:$0x3F9E] =	sst s1;
	(tag) =	ssettag s2;
	_ =	strace s9  }
0x27: {  	s1 =	sld [smem:$0x3FAE]  }
0x28: {  	s2 =	sld [smem:$0x3FAF]  }
0x29: {  	s4 =	sld [smem:$0x3FB1]  }
0x2a: {  	p0 =	seq.s32 s5, $0x0;
	s5 =	sld [smem:$0x3FB2]  }
0x2b: {  	s6 =	sld [smem:$0x3FB3]  }
0x2c: {  	s7 =	sld [smem:$0x3FB4]  }
0x2d: {  	s3 =	simm.s32 $0x108;
	s8 =	sld [smem:$0x3FB5]  }
0x2e: {  	s3 =	simm.s32 @!p0 $0x1082;
	s9 =	sld [smem:$0x3FB6]  }
0x2f: {  	lr =	sadd.s32 s0, s3;
	s0 =	sld [smem:$0x3FAD]  }
0x30: {  	s3 =	sld [smem:$0x3FB0]  }
0x31: {  	[smem:$0x3FB9] =	sst s10  }
0x32: {  	s10 =	sld [smem:$0x3FB7];
	_ =	sdelay $0x3  }
0x33: {  	p0 =	seq.s32 s10, $0x1;
	s10 =	sld [smem:$0x3FB9];
	_ =	sdelay $0x3  }
0x34: {  	[smem:$0x3FB9] =	sst s10  }
0x35: {  	s10 =	sld [smem:$0x3FB8];
	_ =	sdelay $0x3  }
0x36: {  	p1 =	seq.s32 s10, $0x1;
	s10 =	sld [smem:$0x3FB9];
	_ =	sdelay $0x3  }
0x37: {  	[smem:$0x3FB9] =	sst s10  }
0x38: {  	s10 =	sld [smem:$0x3FBA]  }
0x39: {  	_ = 	snop;
	(pc) =	sbr.ind lr, $3  }
0x3a: {  	_ = 	snop  }
0x3b: {  	_ = 	snop  }
0x3c: {  	p2 =	seq.s32 s10, $0x1;
	s10 =	sld [smem:$0x3FB9]  }
0x3d: {  	_ =	shalt  }
0x3e: {  	_ =	shalt  }
0x3f: {  	_ =	shalt  }
0x40: {  	_ =	shalt  }
0x41: {  	_ =	shalt  }
0x42: {  	_ =	shalt  }
0x43: {  	_ =	shalt  }
0x44: {  	_ =	shalt  }
0x45: {  	_ =	shalt  }
0x46: {  	_ =	shalt  }
0x47: {  	_ =	shalt  }
0x48: {  	_ =	shalt  }
0x49: {  	_ =	shalt  }
0x4a: {  	_ =	shalt  }
0x4b: {  	_ =	shalt  }
0x4c: {  	_ =	shalt  }
0x4d: {  	_ =	shalt  }
0x4e: {  	_ =	shalt  }
0x4f: {  	_ =	shalt  }
0x50: {  	_ =	shalt  }
0x51: {  	_ =	shalt  }
0x52: {  	_ =	shalt  }
0x53: {  	_ =	shalt  }
0x54: {  	_ =	shalt  }
0x55: {  	_ =	shalt  }
0x56: {  	_ =	shalt  }
0x57: {  	_ =	shalt  }
0x58: {  	_ =	shalt  }
0x59: {  	_ =	shalt  }
0x5a: {  	_ =	shalt  }
0x5b: {  	_ =	shalt  }
0x5c: {  	_ =	shalt  }
0x5d: {  	_ =	shalt  }
0x5e: {  	_ =	shalt  }
0x5f: {  	_ =	shalt  }
0x60: {  	_ =	shalt  }
0x61: {  	_ =	shalt  }
0x62: {  	_ =	shalt  }
0x63: {  	_ =	shalt  }
0x64: {  	_ =	shalt  }
0x65: {  	_ =	shalt  }
0x66: {  	_ =	shalt  }
0x67: {  	_ =	shalt  }
0x68: {  	_ =	shalt  }
0x69: {  	_ =	shalt  }
0x6a: {  	_ =	shalt  }
0x6b: {  	_ =	shalt  }
0x6c: {  	_ =	shalt  }
0x6d: {  	_ =	shalt  }
0x6e: {  	_ =	shalt  }
0x6f: {  	_ =	shalt  }
0x70: {  	_ =	shalt  }
0x71: {  	_ =	shalt  }
0x72: {  	_ =	shalt  }
0x73: {  	_ =	shalt  }
0x74: {  	_ =	shalt  }
0x75: {  	_ =	shalt  }
0x76: {  	_ =	shalt  }
0x77: {  	_ =	shalt  }
0x78: {  	_ =	shalt  }
0x79: {  	_ =	shalt  }
0x7a: {  	_ =	shalt  }
0x7b: {  	_ =	shalt  }
0x7c: {  	_ =	shalt  }
0x7d: {  	_ =	shalt  }
0x7e: {  	_ =	shalt  }
0x7f: {  	_ =	shalt  }
0x80: {  	_ =	shalt  }
0x81: {  	_ =	shalt  }
0x82: {  	_ =	shalt  }
0x83: {  	_ =	shalt  }
0x84: {  	_ =	shalt  }
0x85: {  	_ =	shalt  }
0x86: {  	_ =	shalt  }
0x87: {  	_ =	shalt  }
.Lfunc_end0:
.L_simem_size_0:
called_computation_lowered:
.L_overlay_start_0:
0x88: {  	s2 =	sld [smem:$0x3FD9]  }
0x89: {  	s3 =	sld [smem:$0x3FFE];
	_ =	sdelay $0x1  }
0x8a: {  	s1 =	srdreg.scid  }
0x8b: {  	s0 =	sand.u32 $0x1, s1  }
0x8c: {  	s17 =	sshll.u32 s0, $0xA;
	s2 =	sadd.s32 s3, s2  }
0x8d: {  	s2 =	sadd.s32 s2, s17  }
0x8e: {  	[smem:$0x3FC5] =	sst s2  }
0x8f: {  	_ = 	snop  }
0x90: {  	s2 =	sld [smem:$0x3FD0];
	(tm) =	ssettm $0x1  }
0x91: {  	s18 =	sld [smem:$0x3FFB];
	_ =	sdelay $0x3  }
0x92: {  	_ =	strace s18  }
0x93: {  	s3 =	sld [smem:$0x3FFC];
	_ =	sdelay $0x3  }
0x94: {  	_ =	strace s3  }
0x95: {  	s3 =	sld [smem:$0x3FFD];
	_ =	sdelay $0x3  }
0x96: {  	_ =	strace s3  }
0x97: {  	_ =	strace $0x8FFFFFFF  }
0x98: {  	s19 =	sld [smem:$0x3FDB];
	_ =	sdelay $0x1  }
0x99: {  	s4 =	simm.s32 $_scs_section_size  }
0x9a: {  	s5 =	simm.s32 $_size__tile_overlayer_lowered;
	s6 =	simm.s32 $_tile_overlayer_lowered  }
0x9b: {  	s22 =	simm.s32 $0x1BFF;
	s21 =	sshll.u32 s6, $0x1;
	s3 =	sadd.s32 s4, s19  }
0x9c: {  	s7 =	simm.s32 $0x0;
	s20 =	sshll.u32 s5, $0x1;
	s5 =	sadd.s32 s21, s3  }
0x9d: {  	[timem:s7], [sflag:s22] =	dma.local [hbm:s5], s20  }
0x9e: {  	_ =	swait.ge [sflag:s22], s20  }
0x9f: {  	s4 =	ssub.s32 $0x0, s20;
	[sflag:s22] =	ssyncset.done $0x0  }
0xa0: {  	[sflag:s22] =	ssyncadd.s32 s4;
	_ =	sdelay $0x1  }
0xa1: {  	s23 =	simm.s32 $0x1B8B  }
0xa2: {  	_ =	swait.ge [sflag:s23], $0x1  }
0xa3: {  	[sflag:s23] =	ssyncset.done $0x0  }
0xa4: {  	s25 =	simm.s32 $0x1B8E;
	s24 =	sld [smem:$0x3FFE];
	[sflag:s23] =	ssyncadd.s32 $0xFFFFFFFF  }
0xa5: {  	s26 =	simm.s32 $execute0_lowered;
	[smem:$0x3FD2] =	sst s25  }
0xa6: {  	s5 =	sshll.u32 s26, $0x1;
	_ =	strace $0x80000046;
	[dreg:$0x1] =	wrdreg $0xFFFFFFFF  }
0xa7: {  	s28 =	simm.s32 $_size_execute0_lowered;
	s3 =	sadd.s32 s3, s5;
	[dreg:$0x0] =	wrdreg $0x0  }
0xa8: {  	s5 =	sshll.u32 s28, $0x1;
	[dreg:$0x2] =	wrdreg s3  }
0xa9: {  	[dreg:$0x3] =	wrdreg s5  }
0xaa: {  	[dreg:$0x4] =	wrdreg $0xC0  }
0xab: {  	_ =	task [dreg:s7], $0x5FFFF  }
0xac: {  	[dreg:$0x1] =	wrdreg $0xFFFFFFFF  }
0xad: {  	[dreg:$0x0] =	wrdreg $0x60  }
0xae: {  	[dreg:$0x2] =	wrdreg s24  }
0xaf: {  	[dreg:$0x3] =	wrdreg s2  }
0xb0: {  	[dreg:$0x4] =	wrdreg $0xA8000  }
0xb1: {  	[dreg:$0x5] =	wrdreg $0x9  }
0xb2: {  	_ =	task.clear_ibuf [dreg:s7], $0x6FFFF;
	_ =	strace $0x90000046  }
0xb3: {  	s29 =	simm.s32 $0x9;
	_ =	strace $0x80000048  }
0xb4: {  	_ =	swait.ge [sflag:s29], $0x1  }
0xb5: {  	[sflag:s29] =	ssyncadd.s32 $0xFFFFFFFF  }
0xb6: {  	_ =	strace $0x90000048  }
0xb7: {  	_ =	sfence  }
0xb8: {  	s30 =	sld [smem:$0x0];
	_ =	sdelay $0x2  }
0xb9: {  	s31 =	sshll.u32 s1, $0xD;
	s1 =	sshrl.u32 s1, $0x2  }
0xba: {  	s3 =	sand.u32 $0x4000, s31;
	s1 =	sadd.s32 s1, s30  }
0xbb: {  	s0 =	sor.u32 s3, s0;
	s1 =	sshll.u32 s1, $0x11  }
0xbc: {  	s0 =	sor.u32 s1, s0  }
0xbd: {  	s0 =	sadd.s32 $0x8F2B, s0  }
0xbe: {  	[sflag:s0] =	ssyncadd.remote.s32 $0x1  }
0xbf: {  	_ =	sfence.sel $0xFFFF  }
0xc0: {  	[dreg:$0x0] =	wrdreg $0xFFFFFFFF;
	(pc) =	sbr.abs _section_cstart, $3  }
0xc1: {  	[dreg:$0x1] =	wrdreg $0xFFFFFFFF  }
0xc2: {  	_ =	task.clear_ibuf [dreg:s7], $0x2FFFF;
	_ =	strace $0x9FFFFFFF  }
0xc3: {  	(tm) =	ssettm $0x7FFFFFFF  }
tec
execute0_lowered:
.L_overlay_start_1:
0x0: {  	(tag) =	ssettag $0x1  }
0x1: {  	s5 =	rddreg [dreg:$0x0]  }
0x2: {  	s9 =	rddreg [dreg:$0x1]  }
0x3: {  	s1 =	rddreg [dreg:$0x2]  }
0x4: {  	s0 =	rddreg [dreg:$0x3];
	s2 =	simm.s32 $0x0  }
0x5: {  	s3 =	srdreg.scid;
	s16 =	simm.s32 $0x2800;
	s17 =	simm.s32 $0x3  }
0x6: {  	s18 =	simm.s32 $0x1400;
	s19 =	simm.s32 $0x80;
	s20 =	simm.s32 $0x6800  }
0x7: {  	s21 =	simm.s32 $0x1480;
	s22 =	simm.s32 $0x1;
	s23 =	simm.s32 $0x2  }
0x8: {  	s24 =	simm.s32 $0x0;
	[smem:$0x7FF] =	sst s2;
	s6 =	sand.u32 $0x1, s3  }
0x9: {  	s3 =	stileid.u32;
	s4 =	sadd.s32 $0x200, s5;
	s7 =	smul.u32 $0x28000, s6  }
0xa: {  	s11 =	sadd.s32 $0x41EE00, s5;
	s8 =	smul.u32 $0x2800, s3;
	s10 =	sshll.u32 s6, $0x4  }
0xb: {  	s12 =	smul.u32 $0x50000, s3;
	s6 =	ssub.s32 $0x2, s6;
	s10 =	sor.u32 s3, s10  }
0xc: {  	_ =	strace $0x80000047;
	s28 =	sshrl.u32 s6, $0x1;
	s26 =	smul.u32 $0x2800, s10  }
0xd: {  	s7 =	sadd.s32 s8, s7;
	s29 =	smul.u32 $0x500, s10;
	s30 =	sshrl.u32 s12, $0x2  }
0xe: {  	s14 =	ssub.s32 s6, s28;
	s13 =	sadd.s32 s7, s5;
	s5 =	sadd.s32 s30, s1  }
0xf: {  	s8 =	sshrl.u32 s26, $0x3;
	s6 =	sadd.s32 s11, s29;
	s7 =	sadd.s32 s9, s29  }
0x10: {  	s10 =	sadd.s32 $0x428E00, s13;
	s12 =	sadd.s32 $0x4000, s5;
	s31 =	sadd.s32 $0x280, s8  }
0x11: {  	s13 =	sadd.s32 $0x8000, s5;
	s15 =	sadd.s32 $0x10000, s5;
	s8 =	sadd.s32 s11, s31  }
0x12: {  	v0 =	vimm.f32 $0.0e+00;
	s9 =	sadd.s32 s9, s31;
	s11 =	smax.u32 s14, $0x1;
	s14 =	sadd.s32 $0xC000, s5  }
.LBB2_1:
0x13: {  	s25 =	simm.s32 $0x0;
	s26 =	simm.s32 $0x200  }
.LBB2_2:
0x14: {  	p0 =	sne.s32 s26, $0xFE00;
	[tilespmem:s25+$0x2870] =	vst v0  }
0x15: {  	[tilespmem:s25+$0x2800] =	vst v0  }
0x16: {  	[tilespmem:s25+$0x2810] =	vst v0  }
.Ltmp0:
0x17: {  	[tilespmem:s25+$0x2820] =	vst v0;
	(pc) =	sbr.rel @p0 .LBB2_2-.Ltmp0, $4  }
0x18: {  	[tilespmem:s25+$0x2830] =	vst v0  }
0x19: {  	[tilespmem:s25+$0x2840] =	vst v0  }
0x1a: {  	[tilespmem:s25+$0x2850] =	vst v0  }
0x1b: {  	[tilespmem:s25+$0x2860] =	vst v0;
	s25 =	sshra.s32 s26, $0x2;
	s26 =	sadd.s32 $0x200, s26  }
0x1c: {  	[tilespmem:s25+$0x2870] =	vst v0  }
0x1d: {  	[tilespmem:s25+$0x2800] =	vst v0  }
0x1e: {  	[tilespmem:s25+$0x2810] =	vst v0  }
0x1f: {  	[tilespmem:s25+$0x2820] =	vst v0  }
0x20: {  	[tilespmem:s25+$0x2830] =	vst v0  }
0x21: {  	[tilespmem:s25+$0x2840] =	vst v0  }
0x22: {  	[tilespmem:s25+$0x2850] =	vst v0  }
0x23: {  	[tilespmem:s25+$0x2860] =	vst v0  }
0x24: {  	[spmem:s5] =	stream.linear.scatter [tilespmem:s16], [sflag:$0x3], $0x4000, $0x38;
	[tilespmem:$0x1E800] =	vst v63  }
0x25: {  	_ =	swait.ge [sflag:s17], $0x4000  }
0x26: {  	[sflag:s17] =	ssyncset.done $0x0  }
0x27: {  	[sflag:s17] =	ssyncadd.s32 $0xFFFFC000  }
0x28: {  	[spmem:s12] =	stream.linear.scatter [tilespmem:s16], [sflag:$0x3], $0x4000, $0x38;
	[tilespmem:$0x1E800] =	vst v63  }
0x29: {  	_ =	swait.ge [sflag:s17], $0x4000  }
0x2a: {  	[sflag:s17] =	ssyncset.done $0x0  }
0x2b: {  	[sflag:s17] =	ssyncadd.s32 $0xFFFFC000  }
0x2c: {  	[spmem:s13] =	stream.linear.scatter [tilespmem:s16], [sflag:$0x3], $0x4000, $0x38;
	[tilespmem:$0x1E800] =	vst v63  }
0x2d: {  	_ =	swait.ge [sflag:s17], $0x4000  }
0x2e: {  	[sflag:s17] =	ssyncset.done $0x0  }
0x2f: {  	[sflag:s17] =	ssyncadd.s32 $0xFFFFC000  }
0x30: {  	[spmem:s14] =	stream.linear.scatter [tilespmem:s16], [sflag:$0x3], $0x4000, $0x38;
	[tilespmem:$0x1E800] =	vst v63  }
0x31: {  	_ =	swait.ge [sflag:s17], $0x4000  }
0x32: {  	[sflag:s17] =	ssyncset.done $0x0  }
0x33: {  	[sflag:s17] =	ssyncadd.s32 $0xFFFFC000  }
0x34: {  	[spmem:s15] =	stream.linear.scatter [tilespmem:s16], [sflag:$0x3], $0x4000, $0x38;
	[tilespmem:$0x1E800] =	vst v63  }
0x35: {  	_ =	swait.ge [sflag:s17], $0x4000  }
0x36: {  	[sflag:s17] =	ssyncset.done $0x0  }
0x37: {  	[sflag:s17] =	ssyncadd.s32 $0xFFFFC000  }
0x38: {  	[bflag:$0x0] =	sbarrier.arrive $0xFFFF  }
0x39: {  	[tilespmem:s2], [sflag:$0x3] =	stream.linear.gather [hbm4b:s6+s2], $0x1400, $0x38;
	[tilespmem:$0x1E800] =	vst v63  }
0x3a: {  	_ =	swait.ge [sflag:s17], $0x1400  }
0x3b: {  	[sflag:s17] =	ssyncset.done $0x0  }
0x3c: {  	[sflag:s17] =	ssyncadd.s32 $0xFFFFEC00  }
0x3d: {  	[tilespmem:s18], [sflag:$0x3] =	stream.linear.gather [hbm4b:s7+s2], $0x1400, $0x38;
	[tilespmem:$0x1E800] =	vst v63  }
0x3e: {  	_ =	swait.ge [sflag:s17], $0x1400  }
0x3f: {  	[sflag:s17] =	ssyncset.done $0x0  }
0x40: {  	[sflag:s17] =	ssyncadd.s32 $0xFFFFEC00  }
0x41: {  	[tilespmem:s16], [sflag:$0x3] =	stream.indirect.gather [hbm4b:s4+s19], $0x80, s2, s19, $0xb8;
	[tilespmem:$0x1E800] =	vst v63  }
0x42: {  	_ =	swait.ge [sflag:s17], $0x4000  }
0x43: {  	[sflag:s17] =	ssyncset.done $0x0  }
0x44: {  	[sflag:s17] =	ssyncadd.s32 $0xFFFFC000  }
0x45: {  	[spmem:s1] =	stream.indirect.scatter.add.f32 [tilespmem:s16], [sflag:$0x1], $0x80, s18, s19, $0xb8;
	[tilespmem:$0x1E800] =	vst v63  }
0x46: {  	_ = 	snop  }
0x47: {  	[tilespmem:s20], [sflag:$0x3] =	stream.indirect.gather [hbm4b:s4+s19], $0x80, s19, s19, $0xb8;
	[tilespmem:$0x1E800] =	vst v63  }
0x48: {  	_ =	swait.ge [sflag:s17], $0x4000  }
0x49: {  	[sflag:s17] =	ssyncset.done $0x0  }
0x4a: {  	[sflag:s17] =	ssyncadd.s32 $0xFFFFC000  }
0x4b: {  	[spmem:s1] =	stream.indirect.scatter.add.f32 [tilespmem:s20], [sflag:$0x2], $0x80, s21, s19, $0xb8;
	[tilespmem:$0x1E800] =	vst v63  }
0x4c: {  	_ =	swait.ge [sflag:s22], $0x4000  }
0x4d: {  	[sflag:s22] =	ssyncset.done $0x0  }
0x4e: {  	s29 =	simm.s32 $0x100;
	[sflag:s22] =	ssyncadd.s32 $0xFFFFC000  }
0x4f: {  	[tilespmem:s16], [sflag:$0x3] =	stream.indirect.gather [hbm4b:s4+s19], $0x80, s29, s19, $0xb8;
	[tilespmem:$0x1E800] =	vst v63  }
0x50: {  	_ =	swait.ge [sflag:s17], $0x4000  }
0x51: {  	[sflag:s17] =	ssyncset.done $0x0  }
0x52: {  	s30 =	simm.s32 $0x1500;
	[sflag:s17] =	ssyncadd.s32 $0xFFFFC000  }
0x53: {  	[spmem:s1] =	stream.indirect.scatter.add.f32 [tilespmem:s16], [sflag:$0x1], $0x80, s30, s19, $0xb8;
	[tilespmem:$0x1E800] =	vst v63  }
0x54: {  	_ =	swait.ge [sflag:s23], $0x4000  }
0x55: {  	[sflag:s23] =	ssyncset.done $0x0  }
0x56: {  	s31 =	simm.s32 $0x180;
	[sflag:s23] =	ssyncadd.s32 $0xFFFFC000  }
0x57: {  	[tilespmem:s20], [sflag:$0x3] =	stream.indirect.gather [hbm4b:s4+s19], $0x80, s31, s19, $0xb8;
	[tilespmem:$0x1E800] =	vst v63  }
0x58: {  	_ =	swait.ge [sflag:s17], $0x4000  }
0x59: {  	[sflag:s17] =	ssyncset.done $0x0  }
0x5a: {  	s25 =	simm.s32 $0xFFFFB800;
	s26 =	simm.s32 $0x1580;
	[sflag:s17] =	ssyncadd.s32 $0xFFFFC000  }
.LBB2_4:
0x5b: {  	[spmem:s1] =	stream.indirect.scatter.add.f32 [tilespmem:s20], [sflag:$0x2], $0x80, s26, s19, $0xb8;
	[tilespmem:$0x1E800] =	vst v63  }
0x5c: {  	s26 =	smov.u32 s25  }
0x5d: {  	p0 =	sne.s32 s25, $0xFFFFFC00;
	s25 =	sadd.s32 $0x400, s25;
	_ =	swait.ge [sflag:s22], $0x4000  }
0x5e: {  	s26 =	sshra.s32 s26, $0x2;
	[sflag:s22] =	ssyncset.done $0x0  }
0x5f: {  	s28 =	sadd.s32 $0x1400, s26;
	[sflag:s22] =	ssyncadd.s32 $0xFFFFC000  }
0x60: {  	[tilespmem:s16], [sflag:$0x3] =	stream.indirect.gather [hbm4b:s4+s19], $0x80, s28, s19, $0xb8;
	[tilespmem:$0x1E800] =	vst v63  }
0x61: {  	_ =	swait.ge [sflag:s17], $0x4000  }
0x62: {  	[sflag:s17] =	ssyncset.done $0x0  }
0x63: {  	s28 =	sadd.s32 $0x2800, s26;
	[sflag:s17] =	ssyncadd.s32 $0xFFFFC000  }
0x64: {  	[spmem:s1] =	stream.indirect.scatter.add.f32 [tilespmem:s16], [sflag:$0x1], $0x80, s28, s19, $0xb8;
	[tilespmem:$0x1E800] =	vst v63  }
0x65: {  	_ =	swait.ge [sflag:s23], $0x4000  }
0x66: {  	[sflag:s23] =	ssyncset.done $0x0  }
.Ltmp1:
0x67: {  	s28 =	sadd.s32 $0x1480, s26;
	[sflag:s23] =	ssyncadd.s32 $0xFFFFC000;
	(pc) =	sbr.rel @p0 .LBB2_4-.Ltmp1, $4  }
0x68: {  	[tilespmem:s20], [sflag:$0x3] =	stream.indirect.gather [hbm4b:s4+s19], $0x80, s28, s19, $0xb8;
	[tilespmem:$0x1E800] =	vst v63  }
0x69: {  	_ =	swait.ge [sflag:s17], $0x4000  }
0x6a: {  	[sflag:s17] =	ssyncset.done $0x0  }
0x6b: {  	s26 =	sadd.s32 $0x2880, s26;
	[sflag:s17] =	ssyncadd.s32 $0xFFFFC000  }
0x6c: {  	[spmem:s1] =	stream.indirect.scatter.add.f32 [tilespmem:s20], [sflag:$0x2], $0x80, s26, s19, $0xb8;
	[tilespmem:$0x1E800] =	vst v63  }
0x6d: {  	_ =	swait.ge [sflag:s22], $0x4000  }
0x6e: {  	[sflag:s22] =	ssyncset.done $0x0  }
0x6f: {  	[sflag:s22] =	ssyncadd.s32 $0xFFFFC000  }
0x70: {  	_ =	swait.ge [sflag:s23], $0x4000  }
0x71: {  	[sflag:s23] =	ssyncset.done $0x0  }
0x72: {  	[sflag:s23] =	ssyncadd.s32 $0xFFFFC000  }
0x73: {  	[tilespmem:s2], [sflag:$0x3] =	stream.linear.gather [hbm4b:s8+s2], $0x1400, $0x38;
	[tilespmem:$0x1E800] =	vst v63  }
0x74: {  	_ =	swait.ge [sflag:s17], $0x1400  }
0x75: {  	[sflag:s17] =	ssyncset.done $0x0  }
0x76: {  	[sflag:s17] =	ssyncadd.s32 $0xFFFFEC00  }
0x77: {  	[tilespmem:s18], [sflag:$0x3] =	stream.linear.gather [hbm4b:s9+s2], $0x1400, $0x38;
	[tilespmem:$0x1E800] =	vst v63  }
0x78: {  	_ =	swait.ge [sflag:s17], $0x1400  }
0x79: {  	[sflag:s17] =	ssyncset.done $0x0  }
0x7a: {  	[sflag:s17] =	ssyncadd.s32 $0xFFFFEC00  }
0x7b: {  	[tilespmem:s16], [sflag:$0x3] =	stream.indirect.gather [hbm4b:s4+s19], $0x80, s2, s19, $0xb8;
	[tilespmem:$0x1E800] =	vst v63  }
0x7c: {  	_ =	swait.ge [sflag:s17], $0x4000  }
0x7d: {  	[sflag:s17] =	ssyncset.done $0x0  }
0x7e: {  	[sflag:s17] =	ssyncadd.s32 $0xFFFFC000  }
0x7f: {  	[spmem:s1] =	stream.indirect.scatter.add.f32 [tilespmem:s16], [sflag:$0x1], $0x80, s18, s19, $0xb8;
	[tilespmem:$0x1E800] =	vst v63  }
0x80: {  	_ = 	snop  }
0x81: {  	[tilespmem:s20], [sflag:$0x3] =	stream.indirect.gather [hbm4b:s4+s19], $0x80, s19, s19, $0xb8;
	[tilespmem:$0x1E800] =	vst v63  }
0x82: {  	_ =	swait.ge [sflag:s17], $0x4000  }
0x83: {  	[sflag:s17] =	ssyncset.done $0x0  }
0x84: {  	[sflag:s17] =	ssyncadd.s32 $0xFFFFC000  }
0x85: {  	[spmem:s1] =	stream.indirect.scatter.add.f32 [tilespmem:s20], [sflag:$0x2], $0x80, s21, s19, $0xb8;
	[tilespmem:$0x1E800] =	vst v63  }
0x86: {  	_ =	swait.ge [sflag:s22], $0x4000  }
0x87: {  	[sflag:s22] =	ssyncset.done $0x0  }
0x88: {  	s25 =	simm.s32 $0x100;
	[sflag:s22] =	ssyncadd.s32 $0xFFFFC000  }
0x89: {  	[tilespmem:s16], [sflag:$0x3] =	stream.indirect.gather [hbm4b:s4+s19], $0x80, s25, s19, $0xb8;
	[tilespmem:$0x1E800] =	vst v63  }
0x8a: {  	_ =	swait.ge [sflag:s17], $0x4000  }
0x8b: {  	[sflag:s17] =	ssyncset.done $0x0  }
0x8c: {  	s30 =	simm.s32 $0x1500;
	[sflag:s17] =	ssyncadd.s32 $0xFFFFC000  }
0x8d: {  	[spmem:s1] =	stream.indirect.scatter.add.f32 [tilespmem:s16], [sflag:$0x1], $0x80, s30, s19, $0xb8;
	[tilespmem:$0x1E800] =	vst v63  }
0x8e: {  	_ =	swait.ge [sflag:s23], $0x4000  }
0x8f: {  	[sflag:s23] =	ssyncset.done $0x0  }
0x90: {  	s31 =	simm.s32 $0x180;
	[sflag:s23] =	ssyncadd.s32 $0xFFFFC000  }
0x91: {  	[tilespmem:s20], [sflag:$0x3] =	stream.indirect.gather [hbm4b:s4+s19], $0x80, s31, s19, $0xb8;
	[tilespmem:$0x1E800] =	vst v63  }
0x92: {  	_ =	swait.ge [sflag:s17], $0x4000  }
0x93: {  	[sflag:s17] =	ssyncset.done $0x0  }
0x94: {  	s26 =	simm.s32 $0x1580;
	s25 =	simm.s32 $0xFFFFB800;
	[sflag:s17] =	ssyncadd.s32 $0xFFFFC000  }
.LBB2_6:
0x95: {  	[spmem:s1] =	stream.indirect.scatter.add.f32 [tilespmem:s20], [sflag:$0x2], $0x80, s26, s19, $0xb8;
	[tilespmem:$0x1E800] =	vst v63  }
0x96: {  	s26 =	smov.u32 s25  }
0x97: {  	p0 =	sne.s32 s25, $0xFFFFFC00;
	s25 =	sadd.s32 $0x400, s25;
	_ =	swait.ge [sflag:s22], $0x4000  }
0x98: {  	s26 =	sshra.s32 s26, $0x2;
	[sflag:s22] =	ssyncset.done $0x0  }
0x99: {  	s28 =	sadd.s32 $0x1400, s26;
	[sflag:s22] =	ssyncadd.s32 $0xFFFFC000  }
0x9a: {  	[tilespmem:s16], [sflag:$0x3] =	stream.indirect.gather [hbm4b:s4+s19], $0x80, s28, s19, $0xb8;
	[tilespmem:$0x1E800] =	vst v63  }
0x9b: {  	_ =	swait.ge [sflag:s17], $0x4000  }
0x9c: {  	[sflag:s17] =	ssyncset.done $0x0  }
0x9d: {  	s28 =	sadd.s32 $0x2800, s26;
	[sflag:s17] =	ssyncadd.s32 $0xFFFFC000  }
0x9e: {  	[spmem:s1] =	stream.indirect.scatter.add.f32 [tilespmem:s16], [sflag:$0x1], $0x80, s28, s19, $0xb8;
	[tilespmem:$0x1E800] =	vst v63  }
0x9f: {  	_ =	swait.ge [sflag:s23], $0x4000  }
0xa0: {  	[sflag:s23] =	ssyncset.done $0x0  }
.Ltmp2:
0xa1: {  	s28 =	sadd.s32 $0x1480, s26;
	[sflag:s23] =	ssyncadd.s32 $0xFFFFC000;
	(pc) =	sbr.rel @p0 .LBB2_6-.Ltmp2, $4  }
0xa2: {  	[tilespmem:s20], [sflag:$0x3] =	stream.indirect.gather [hbm4b:s4+s19], $0x80, s28, s19, $0xb8;
	[tilespmem:$0x1E800] =	vst v63  }
0xa3: {  	_ =	swait.ge [sflag:s17], $0x4000  }
0xa4: {  	[sflag:s17] =	ssyncset.done $0x0  }
0xa5: {  	s26 =	sadd.s32 $0x2880, s26;
	[sflag:s17] =	ssyncadd.s32 $0xFFFFC000  }
0xa6: {  	[spmem:s1] =	stream.indirect.scatter.add.f32 [tilespmem:s20], [sflag:$0x2], $0x80, s26, s19, $0xb8;
	[tilespmem:$0x1E800] =	vst v63  }
0xa7: {  	_ =	swait.ge [sflag:s22], $0x4000  }
0xa8: {  	[sflag:s22] =	ssyncset.done $0x0  }
0xa9: {  	[sflag:s22] =	ssyncadd.s32 $0xFFFFC000  }
0xaa: {  	_ =	swait.ge [sflag:s23], $0x4000  }
0xab: {  	s25 =	sshll.u32 s3, $0x6;
	s24 =	sadd.s32 $0x1, s24;
	[sflag:s23] =	ssyncset.done $0x0  }
0xac: {  	s31 =	sshrl.u32 s5, $0x3;
	p0 =	sne.s32 s24, s11;
	[sflag:s23] =	ssyncadd.s32 $0xFFFFC000  }
.Ltmp3:
0xad: {  	s25 =	sor.u32 $0x1C03, s25;
	[bflag:$0x0] =	sbarrier.arrive $0xFFFF;
	(pc) =	sbr.rel @p0 .LBB2_1-.Ltmp3, $4  }
0xae: {  	[hbm:s10], [sflag:s25] =	dma.local [spmem:s31], $0x2800  }
0xaf: {  	_ =	swait.ge [sflag:s17], $0x2800  }
0xb0: {  	[sflag:s17] =	ssyncset.done $0x0  }
0xb1: {  	[sflag:s17] =	ssyncadd.s32 $0xFFFFD800  }
0xb2: {  	_ =	sfence.sel $0x180000  }
0xb3: {  	[bflag:$0x0] =	sbarrier.arrive $0xFFFF  }
0xb4: {  	p0 =	sne.s32 s3, $0x0;
	_ =	strace $0x90000047  }
0xb5: {  	s0 =	sadd.s32 @!p0 $0x100000, s0;
	[bflag:$0x2] =	sbarrier.arrive $0xFFFF  }
0xb6: {  	[sflag:s0] =	ssyncadd.tile.s32 @!p0 $0x1;
	_ =	shalt  }
.Lfunc_end2:
_tile_overlayer_lowered:
.L_overlay_start_2:
0xb7: {  	(tag) =	ssettag $0x2  }
0xb8: {  	s0 =	rddreg [dreg:$0x0];
	s2 =	stileid.u32  }
0xb9: {  	s1 =	rddreg [dreg:$0x1];
	p0 =	sne.s32 s2, $0x0  }
0xba: {  	s3 =	rddreg [dreg:$0x2];
	[bflag:$0x3] =	sbarrier.arrive $0xFFFF;
	s2 =	simm.s32 @!p0 $0x1C03  }
0xbb: {  	[timem:s3], [sflag:s2] =	dma.local @!p0 [hbm:s0], s1  }
0xbc: {  	s0 =	simm.s32 @!p0 $0x3  }
0xbd: {  	_ =	swait.ge @!p0 [sflag:s0], s1  }
0xbe: {  	s1 =	ssub.s32 @!p0 $0x0, s1;
	[sflag:s0] =	ssyncset.done @!p0 $0x0  }
0xbf: {  	[sflag:s0] =	ssyncadd.s32 @!p0 s1  }
0xc0: {  	[bflag:$0x3] =	sbarrier.arrive $0xFFFF  }
0xc1: {  	_ =	shalt  }

</sc_bundles>
